<compile_context>
chip_gen: v7x
topology: tpu7x:2x2x1
jax: 0.10.2.dev20260603
libtpu: 0.0.44.dev20260713+nightly
codegen_flags: <defaults>
</compile_context>

<pallas_src>
import functools

import jax
import jax.numpy as jnp
from jax import lax
from jax.experimental import pallas as pl
from jax.experimental.pallas import tpu as pltpu
from jax.experimental.pallas import tpu_sc as plsc

_B = 1024
_P = 20
_V = 20
_D = 18432
_N = _B * _P
_NCOL = 4
_NROW = 8
_DS = _D // _NCOL
_RPW = _N // _NROW
_NGRP = _RPW // 16

_mesh = plsc.VectorSubcoreMesh(core_axis_name="c", subcore_axis_name="s")


@functools.partial(
    pl.kernel,
    out_type=jax.ShapeDtypeStruct((_N, _D), jnp.float32),
    mesh=_mesh,
    scratch_types=[
        pltpu.VMEM((_RPW,), jnp.int32),
        pltpu.VMEM((_V, _DS), jnp.float32),
        pltpu.SemaphoreType.DMA,
    ],
)
def _sc_lookup(idx_hbm, table_hbm, out_hbm, idx_v, tslice, psem):
    cid = lax.axis_index("c")
    sid = lax.axis_index("s")
    colg = sid // _NCOL
    rowg = (sid % _NCOL) + _NCOL * cid
    col0 = colg * _DS
    row0 = rowg * _RPW

    pltpu.sync_copy(table_hbm.at[:, pl.ds(col0, _DS)], tslice)
    pltpu.sync_copy(idx_hbm.at[rowg], idx_v)

    def grp_body(g, carry):
        vec = idx_v[pl.ds(g * 16, 16)]
        r0 = row0 + g * 16
        for l in range(16):
            pltpu.make_async_copy(
                tslice.at[pl.ds(vec[l], 1)],
                out_hbm.at[pl.ds(r0 + l, 1), pl.ds(col0, _DS)],
                psem).start()
        return carry

    lax.fori_loop(0, _NGRP, grp_body, 0)

    def drain(j, carry):
        pltpu.make_async_copy(
            tslice.at[pl.ds(0, 1)],
            out_hbm.at[pl.ds(row0, 1), pl.ds(col0, _DS)],
            psem).wait()
        return carry

    lax.fori_loop(0, _RPW, drain, 0)


def kernel(prefix, embedding_table):
    idx2 = prefix.reshape(_NROW, _RPW)
    out = _sc_lookup(idx2, embedding_table)
    return out.reshape(_B, _P, _D)

# --- scband reference (transcript-rebuilt; emitter-appended) ---
"""Pipeline reference for scband-prefix-encoder-34127810134525 (READ-ONLY COPY).

The authoritative reference and input builder live on the scoring server;
editing this copy changes nothing except your own understanding.
"""

import jax, jax.numpy as jnp
import numpy as np

PREFIX_LEN = 20
HIDDEN = 768
NUM_LAYERS = 12
ROW_DIM = NUM_LAYERS * 2 * HIDDEN  # 18432
BATCH = 1024

def setup_inputs(seed: int = 0) -> dict:
    key = jax.random.key(seed)
    k1, k2 = jax.random.split(key)
    prefix = jax.random.randint(k1, (BATCH, PREFIX_LEN), 0, PREFIX_LEN, dtype=jnp.int32)
    # embedding table for prefix_projection=False path: [prefix_len, 2*layers*hidden]
    embedding_table = jax.random.normal(k2, (PREFIX_LEN, ROW_DIM), dtype=jnp.float32) * 0.02
    return {"prefix": prefix, "embedding_table": embedding_table}

def reference(prefix, embedding_table):
    # prefix_projection == False: past_key_values = self.embedding(prefix)
    past_key_values = jnp.take(embedding_table, prefix, axis=0)
    return past_key_values

if __name__ == "__main__":
    import jax
    _d = setup_inputs()
    print(jax.jit(kernel)(*tuple(_d.values())))

</pallas_src>

<mosaic_0001>
#map = affine_map<(d0, d1) -> (0, 0)>
module attributes {stable_mosaic.version = 14 : i64} {
  func.func @_sc_lookup(%arg0: i32, %arg1: i32, %arg2: memref<8x2560xi32, #tpu.memory_space<hbm>>, %arg3: memref<20x18432xf32, #tpu.memory_space<hbm>>, %arg4: memref<20480x18432xf32, #tpu.memory_space<hbm>>, %arg5: memref<2560xi32, #tpu.memory_space<vmem>>, %arg6: memref<20x4608xf32, #tpu.memory_space<vmem>>, %arg7: memref<!tpu.dma_semaphore, #tpu.memory_space<semaphore_mem>>) attributes {dimension_semantics = [#tpu.dimension_semantics<core_parallel>, #tpu.dimension_semantics<subcore_parallel>], iteration_bounds = array<i64: 2, 16>, scalar_prefetch = 0 : i64, scratch_operands = 3 : i64, tpu.core_type = #tpu.core_type<sc_vector_subcore>, window_params = [{transform_indices = #map}, {transform_indices = #map}, {transform_indices = #map}]} {
    %jit3A = arith.constant 4 : i32
    %div3A = arith.divsi %arg1, %jit3A : i32
    %sign3A = arith.constant 0 : i32
    %sign3A_0 = arith.cmpi sgt, %arg1, %sign3A : i32
    %sign3A_1 = arith.extui %sign3A_0 : i1 to i32
    %sign3A_2 = arith.constant 0 : i32
    %sign3A_3 = arith.cmpi slt, %arg1, %sign3A_2 : i32
    %sign3A_4 = arith.extui %sign3A_3 : i1 to i32
    %sign3A_5 = arith.subi %sign3A_1, %sign3A_4 : i32
    %sign3A_6 = arith.constant 0 : i32
    %sign3A_7 = arith.cmpi sgt, %jit3A, %sign3A_6 : i32
    %sign3A_8 = arith.extui %sign3A_7 : i1 to i32
    %sign3A_9 = arith.constant 0 : i32
    %sign3A_10 = arith.cmpi slt, %jit3A, %sign3A_9 : i32
    %sign3A_11 = arith.extui %sign3A_10 : i1 to i32
    %sign3A_12 = arith.subi %sign3A_8, %sign3A_11 : i32
    %ne3A = arith.cmpi ne, %sign3A_5, %sign3A_12 : i32
    %rem3A = arith.remsi %arg1, %jit3A : i32
    %ne3A_13 = arith.constant 0 : i32
    %ne3A_14 = arith.cmpi ne, %rem3A, %ne3A_13 : i32
    %and3A = arith.andi %ne3A, %ne3A_14 : i1
    %sub3A = arith.constant 1 : i32
    %sub3A_15 = arith.subi %div3A, %sub3A : i32
    %select_n3A = arith.select %and3A, %sub3A_15, %div3A : i32
    %jit3A_16 = arith.constant 4 : i32
    %eq3A = arith.constant 0 : i32
    %eq3A_17 = arith.cmpi eq, %jit3A_16, %eq3A : i32
    %jit3A_18 = arith.constant 1 : i32
    %select_n3A_19 = arith.select %eq3A_17, %jit3A_18, %jit3A_16 : i32
    %rem3A_20 = arith.remsi %arg1, %select_n3A_19 : i32
    %ne3A_21 = arith.constant 0 : i32
    %ne3A_22 = arith.cmpi ne, %rem3A_20, %ne3A_21 : i32
    %lt3A = arith.constant 0 : i32
    %lt3A_23 = arith.cmpi slt, %rem3A_20, %lt3A : i32
    %lt3A_24 = arith.constant 0 : i32
    %lt3A_25 = arith.cmpi slt, %select_n3A_19, %lt3A_24 : i32
    %ne3A_26 = arith.xori %lt3A_23, %lt3A_25 : i1
    %and3A_27 = arith.andi %ne3A_26, %ne3A_22 : i1
    %add3A = arith.addi %rem3A_20, %select_n3A_19 : i32
    %select_n3A_28 = arith.select %and3A_27, %add3A, %rem3A_20 : i32
    %mul3A = arith.constant 4 : i32
    %mul3A_29 = arith.muli %mul3A, %arg0 : i32
    %add3A_30 = arith.addi %select_n3A_28, %mul3A_29 : i32
    %mul3A_31 = arith.constant 4608 : i32
    %mul3A_32 = arith.muli %select_n3A, %mul3A_31 : i32
    %mul3A_33 = arith.constant 2560 : i32
    %mul3A_34 = arith.muli %add3A_30, %mul3A_33 : i32
    "tpu.region"() ({
      %run_scoped3A = tpu.sem_alloc : memref<!tpu.dma_semaphore, #tpu.memory_space<semaphore_mem>>
      %dma_start3A = arith.constant 0 : i32
      %dma_start3A_46 = tpu.memref_slice %arg3[%dma_start3A, %mul3A_32] : memref<20x18432xf32, #tpu.memory_space<hbm>> -> memref<20x4608xf32, #tpu.memory_space<hbm>>
      %dma_start3A_47 = arith.constant 0 : i32
      %dma_start3A_48 = tpu.memref_slice %arg3[%dma_start3A_47, %mul3A_32] : memref<20x18432xf32, #tpu.memory_space<hbm>> -> memref<20x4608xf32, #tpu.memory_space<hbm>>
      tpu.enqueue_dma source(%dma_start3A_48 : memref<20x4608xf32, #tpu.memory_space<hbm>>) target(%arg6 : memref<20x4608xf32, #tpu.memory_space<vmem>>) target_semaphore(%run_scoped3A : memref<!tpu.dma_semaphore, #tpu.memory_space<semaphore_mem>>)
      %dma_wait3A = arith.constant 0 : i32
      %dma_wait3A_49 = tpu.memref_slice %arg3[%dma_wait3A, %mul3A_32] : memref<20x18432xf32, #tpu.memory_space<hbm>> -> memref<20x4608xf32, #tpu.memory_space<hbm>>
      %dma_wait3A_50 = arith.constant 0 : i32
      %dma_wait3A_51 = tpu.memref_slice %arg3[%dma_wait3A_50, %mul3A_32] : memref<20x18432xf32, #tpu.memory_space<hbm>> -> memref<20x4608xf32, #tpu.memory_space<hbm>>
      tpu.wait_dma2 semaphore(%run_scoped3A : memref<!tpu.dma_semaphore, #tpu.memory_space<semaphore_mem>>) src(%dma_wait3A_51 : memref<20x4608xf32, #tpu.memory_space<hbm>>) dst(%arg6 : memref<20x4608xf32, #tpu.memory_space<vmem>>)
      tpu.yield
    }) : () -> ()
    "tpu.region"() ({
      %run_scoped3A = tpu.sem_alloc : memref<!tpu.dma_semaphore, #tpu.memory_space<semaphore_mem>>
      %dma_start3A = arith.constant 0 : i32
      %dma_start3A_46 = tpu.memref_slice %arg2[%add3A_30, %dma_start3A] : memref<8x2560xi32, #tpu.memory_space<hbm>> -> memref<1x2560xi32, #tpu.memory_space<hbm>>
      %dma_start3A_47 = tpu.memref_squeeze %dma_start3A_46 : memref<1x2560xi32, #tpu.memory_space<hbm>> -> memref<2560xi32, #tpu.memory_space<hbm>>
      %dma_start3A_48 = arith.constant 0 : i32
      %dma_start3A_49 = tpu.memref_slice %arg2[%add3A_30, %dma_start3A_48] : memref<8x2560xi32, #tpu.memory_space<hbm>> -> memref<1x2560xi32, #tpu.memory_space<hbm>>
      %dma_start3A_50 = tpu.memref_squeeze %dma_start3A_49 : memref<1x2560xi32, #tpu.memory_space<hbm>> -> memref<2560xi32, #tpu.memory_space<hbm>>
      tpu.enqueue_dma source(%dma_start3A_50 : memref<2560xi32, #tpu.memory_space<hbm>>) target(%arg5 : memref<2560xi32, #tpu.memory_space<vmem>>) target_semaphore(%run_scoped3A : memref<!tpu.dma_semaphore, #tpu.memory_space<semaphore_mem>>)
      %dma_wait3A = arith.constant 0 : i32
      %dma_wait3A_51 = tpu.memref_slice %arg2[%add3A_30, %dma_wait3A] : memref<8x2560xi32, #tpu.memory_space<hbm>> -> memref<1x2560xi32, #tpu.memory_space<hbm>>
      %dma_wait3A_52 = tpu.memref_squeeze %dma_wait3A_51 : memref<1x2560xi32, #tpu.memory_space<hbm>> -> memref<2560xi32, #tpu.memory_space<hbm>>
      %dma_wait3A_53 = arith.constant 0 : i32
      %dma_wait3A_54 = tpu.memref_slice %arg2[%add3A_30, %dma_wait3A_53] : memref<8x2560xi32, #tpu.memory_space<hbm>> -> memref<1x2560xi32, #tpu.memory_space<hbm>>
      %dma_wait3A_55 = tpu.memref_squeeze %dma_wait3A_54 : memref<1x2560xi32, #tpu.memory_space<hbm>> -> memref<2560xi32, #tpu.memory_space<hbm>>
      tpu.wait_dma2 semaphore(%run_scoped3A : memref<!tpu.dma_semaphore, #tpu.memory_space<semaphore_mem>>) src(%dma_wait3A_55 : memref<2560xi32, #tpu.memory_space<hbm>>) dst(%arg5 : memref<2560xi32, #tpu.memory_space<vmem>>)
      tpu.yield
    }) : () -> ()
    %scan3A = arith.constant 0 : i32
    %scan3A_35 = arith.constant 0 : i32
    %scan3A_36 = arith.constant 160 : i32
    %scan3A_37 = arith.addi %scan3A_35, %scan3A_36 : i32
    %scan3A_38 = arith.constant 1 : i32
    scf.for %scan3A_46 = %scan3A_35 to %scan3A_37 step %scan3A_38  : i32 {
      %mul3A_47 = arith.constant 16 : i32
      %mul3A_48 = arith.muli %scan3A_46, %mul3A_47 : i32
      %get3A = arith.index_cast %mul3A_48 : i32 to index
      %get3A_49 = tpu.vector_load %arg5[%get3A] {strides = array<i32>} : memref<2560xi32, #tpu.memory_space<vmem>>, vector<16xi32>,
      %get3A_50 = vector.shape_cast %get3A_49 : vector<16xi32> to vector<16xi32>
      %mul3A_51 = arith.constant 16 : i32
      %mul3A_52 = arith.muli %scan3A_46, %mul3A_51 : i32
      %add3A_53 = arith.addi %mul3A_34, %mul3A_52 : i32
      %slice3A = vector.extract_strided_slice %get3A_50 {offsets = [0], sizes = [1], strides = [1]} : vector<16xi32> to vector<1xi32>
      %squeeze3A = vector.extract %slice3A[0] : i32 from vector<1xi32>
      %add3A_54 = arith.constant 0 : i32
      %add3A_55 = arith.addi %add3A_53, %add3A_54 : i32
      %dma_start3A = arith.constant 0 : i32
      %dma_start3A_56 = tpu.memref_slice %arg6[%squeeze3A, %dma_start3A] : memref<20x4608xf32, #tpu.memory_space<vmem>> -> memref<1x4608xf32, #tpu.memory_space<vmem>>
      %dma_start3A_57 = tpu.memref_slice %arg4[%add3A_55, %mul3A_32] : memref<20480x18432xf32, #tpu.memory_space<hbm>> -> memref<1x4608xf32, #tpu.memory_space<hbm>>
      %dma_start3A_58 = tpu.memref_slice %arg4[%add3A_55, %mul3A_32] : memref<20480x18432xf32, #tpu.memory_space<hbm>> -> memref<1x4608xf32, #tpu.memory_space<hbm>>
      %dma_start3A_59 = arith.constant 0 : i32
      %dma_start3A_60 = tpu.memref_slice %arg6[%squeeze3A, %dma_start3A_59] : memref<20x4608xf32, #tpu.memory_space<vmem>> -> memref<1x4608xf32, #tpu.memory_space<vmem>>
      tpu.enqueue_dma source(%dma_start3A_60 : memref<1x4608xf32, #tpu.memory_space<vmem>>) target(%dma_start3A_58 : memref<1x4608xf32, #tpu.memory_space<hbm>>) target_semaphore(%arg7 : memref<!tpu.dma_semaphore, #tpu.memory_space<semaphore_mem>>)
      %slice3A_61 = vector.extract_strided_slice %get3A_50 {offsets = [1], sizes = [1], strides = [1]} : vector<16xi32> to vector<1xi32>
      %squeeze3A_62 = vector.extract %slice3A_61[0] : i32 from vector<1xi32>
      %add3A_63 = arith.constant 1 : i32
      %add3A_64 = arith.addi %add3A_53, %add3A_63 : i32
      %dma_start3A_65 = arith.constant 0 : i32
      %dma_start3A_66 = tpu.memref_slice %arg6[%squeeze3A_62, %dma_start3A_65] : memref<20x4608xf32, #tpu.memory_space<vmem>> -> memref<1x4608xf32, #tpu.memory_space<vmem>>
      %dma_start3A_67 = tpu.memref_slice %arg4[%add3A_64, %mul3A_32] : memref<20480x18432xf32, #tpu.memory_space<hbm>> -> memref<1x4608xf32, #tpu.memory_space<hbm>>
      %dma_start3A_68 = tpu.memref_slice %arg4[%add3A_64, %mul3A_32] : memref<20480x18432xf32, #tpu.memory_space<hbm>> -> memref<1x4608xf32, #tpu.memory_space<hbm>>
      %dma_start3A_69 = arith.constant 0 : i32
      %dma_start3A_70 = tpu.memref_slice %arg6[%squeeze3A_62, %dma_start3A_69] : memref<20x4608xf32, #tpu.memory_space<vmem>> -> memref<1x4608xf32, #tpu.memory_space<vmem>>
      tpu.enqueue_dma source(%dma_start3A_70 : memref<1x4608xf32, #tpu.memory_space<vmem>>) target(%dma_start3A_68 : memref<1x4608xf32, #tpu.memory_space<hbm>>) target_semaphore(%arg7 : memref<!tpu.dma_semaphore, #tpu.memory_space<semaphore_mem>>)
      %slice3A_71 = vector.extract_strided_slice %get3A_50 {offsets = [2], sizes = [1], strides = [1]} : vector<16xi32> to vector<1xi32>
      %squeeze3A_72 = vector.extract %slice3A_71[0] : i32 from vector<1xi32>
      %add3A_73 = arith.constant 2 : i32
      %add3A_74 = arith.addi %add3A_53, %add3A_73 : i32
      %dma_start3A_75 = arith.constant 0 : i32
      %dma_start3A_76 = tpu.memref_slice %arg6[%squeeze3A_72, %dma_start3A_75] : memref<20x4608xf32, #tpu.memory_space<vmem>> -> memref<1x4608xf32, #tpu.memory_space<vmem>>
      %dma_start3A_77 = tpu.memref_slice %arg4[%add3A_74, %mul3A_32] : memref<20480x18432xf32, #tpu.memory_space<hbm>> -> memref<1x4608xf32, #tpu.memory_space<hbm>>
      %dma_start3A_78 = tpu.memref_slice %arg4[%add3A_74, %mul3A_32] : memref<20480x18432xf32, #tpu.memory_space<hbm>> -> memref<1x4608xf32, #tpu.memory_space<hbm>>
      %dma_start3A_79 = arith.constant 0 : i32
      %dma_start3A_80 = tpu.memref_slice %arg6[%squeeze3A_72, %dma_start3A_79] : memref<20x4608xf32, #tpu.memory_space<vmem>> -> memref<1x4608xf32, #tpu.memory_space<vmem>>
      tpu.enqueue_dma source(%dma_start3A_80 : memref<1x4608xf32, #tpu.memory_space<vmem>>) target(%dma_start3A_78 : memref<1x4608xf32, #tpu.memory_space<hbm>>) target_semaphore(%arg7 : memref<!tpu.dma_semaphore, #tpu.memory_space<semaphore_mem>>)
      %slice3A_81 = vector.extract_strided_slice %get3A_50 {offsets = [3], sizes = [1], strides = [1]} : vector<16xi32> to vector<1xi32>
      %squeeze3A_82 = vector.extract %slice3A_81[0] : i32 from vector<1xi32>
      %add3A_83 = arith.constant 3 : i32
      %add3A_84 = arith.addi %add3A_53, %add3A_83 : i32
      %dma_start3A_85 = arith.constant 0 : i32
      %dma_start3A_86 = tpu.memref_slice %arg6[%squeeze3A_82, %dma_start3A_85] : memref<20x4608xf32, #tpu.memory_space<vmem>> -> memref<1x4608xf32, #tpu.memory_space<vmem>>
      %dma_start3A_87 = tpu.memref_slice %arg4[%add3A_84, %mul3A_32] : memref<20480x18432xf32, #tpu.memory_space<hbm>> -> memref<1x4608xf32, #tpu.memory_space<hbm>>
      %dma_start3A_88 = tpu.memref_slice %arg4[%add3A_84, %mul3A_32] : memref<20480x18432xf32, #tpu.memory_space<hbm>> -> memref<1x4608xf32, #tpu.memory_space<hbm>>
      %dma_start3A_89 = arith.constant 0 : i32
      %dma_start3A_90 = tpu.memref_slice %arg6[%squeeze3A_82, %dma_start3A_89] : memref<20x4608xf32, #tpu.memory_space<vmem>> -> memref<1x4608xf32, #tpu.memory_space<vmem>>
      tpu.enqueue_dma source(%dma_start3A_90 : memref<1x4608xf32, #tpu.memory_space<vmem>>) target(%dma_start3A_88 : memref<1x4608xf32, #tpu.memory_space<hbm>>) target_semaphore(%arg7 : memref<!tpu.dma_semaphore, #tpu.memory_space<semaphore_mem>>)
      %slice3A_91 = vector.extract_strided_slice %get3A_50 {offsets = [4], sizes = [1], strides = [1]} : vector<16xi32> to vector<1xi32>
      %squeeze3A_92 = vector.extract %slice3A_91[0] : i32 from vector<1xi32>
      %add3A_93 = arith.constant 4 : i32
      %add3A_94 = arith.addi %add3A_53, %add3A_93 : i32
      %dma_start3A_95 = arith.constant 0 : i32
      %dma_start3A_96 = tpu.memref_slice %arg6[%squeeze3A_92, %dma_start3A_95] : memref<20x4608xf32, #tpu.memory_space<vmem>> -> memref<1x4608xf32, #tpu.memory_space<vmem>>
      %dma_start3A_97 = tpu.memref_slice %arg4[%add3A_94, %mul3A_32] : memref<20480x18432xf32, #tpu.memory_space<hbm>> -> memref<1x4608xf32, #tpu.memory_space<hbm>>
      %dma_start3A_98 = tpu.memref_slice %arg4[%add3A_94, %mul3A_32] : memref<20480x18432xf32, #tpu.memory_space<hbm>> -> memref<1x4608xf32, #tpu.memory_space<hbm>>
      %dma_start3A_99 = arith.constant 0 : i32
      %dma_start3A_100 = tpu.memref_slice %arg6[%squeeze3A_92, %dma_start3A_99] : memref<20x4608xf32, #tpu.memory_space<vmem>> -> memref<1x4608xf32, #tpu.memory_space<vmem>>
      tpu.enqueue_dma source(%dma_start3A_100 : memref<1x4608xf32, #tpu.memory_space<vmem>>) target(%dma_start3A_98 : memref<1x4608xf32, #tpu.memory_space<hbm>>) target_semaphore(%arg7 : memref<!tpu.dma_semaphore, #tpu.memory_space<semaphore_mem>>)
      %slice3A_101 = vector.extract_strided_slice %get3A_50 {offsets = [5], sizes = [1], strides = [1]} : vector<16xi32> to vector<1xi32>
      %squeeze3A_102 = vector.extract %slice3A_101[0] : i32 from vector<1xi32>
      %add3A_103 = arith.constant 5 : i32
      %add3A_104 = arith.addi %add3A_53, %add3A_103 : i32
      %dma_start3A_105 = arith.constant 0 : i32
      %dma_start3A_106 = tpu.memref_slice %arg6[%squeeze3A_102, %dma_start3A_105] : memref<20x4608xf32, #tpu.memory_space<vmem>> -> memref<1x4608xf32, #tpu.memory_space<vmem>>
      %dma_start3A_107 = tpu.memref_slice %arg4[%add3A_104, %mul3A_32] : memref<20480x18432xf32, #tpu.memory_space<hbm>> -> memref<1x4608xf32, #tpu.memory_space<hbm>>
      %dma_start3A_108 = tpu.memref_slice %arg4[%add3A_104, %mul3A_32] : memref<20480x18432xf32, #tpu.memory_space<hbm>> -> memref<1x4608xf32, #tpu.memory_space<hbm>>
      %dma_start3A_109 = arith.constant 0 : i32
      %dma_start3A_110 = tpu.memref_slice %arg6[%squeeze3A_102, %dma_start3A_109] : memref<20x4608xf32, #tpu.memory_space<vmem>> -> memref<1x4608xf32, #tpu.memory_space<vmem>>
      tpu.enqueue_dma source(%dma_start3A_110 : memref<1x4608xf32, #tpu.memory_space<vmem>>) target(%dma_start3A_108 : memref<1x4608xf32, #tpu.memory_space<hbm>>) target_semaphore(%arg7 : memref<!tpu.dma_semaphore, #tpu.memory_space<semaphore_mem>>)
      %slice3A_111 = vector.extract_strided_slice %get3A_50 {offsets = [6], sizes = [1], strides = [1]} : vector<16xi32> to vector<1xi32>
      %squeeze3A_112 = vector.extract %slice3A_111[0] : i32 from vector<1xi32>
      %add3A_113 = arith.constant 6 : i32
      %add3A_114 = arith.addi %add3A_53, %add3A_113 : i32
      %dma_start3A_115 = arith.constant 0 : i32
      %dma_start3A_116 = tpu.memref_slice %arg6[%squeeze3A_112, %dma_start3A_115] : memref<20x4608xf32, #tpu.memory_space<vmem>> -> memref<1x4608xf32, #tpu.memory_space<vmem>>
      %dma_start3A_117 = tpu.memref_slice %arg4[%add3A_114, %mul3A_32] : memref<20480x18432xf32, #tpu.memory_space<hbm>> -> memref<1x4608xf32, #tpu.memory_space<hbm>>
      %dma_start3A_118 = tpu.memref_slice %arg4[%add3A_114, %mul3A_32] : memref<20480x18432xf32, #tpu.memory_space<hbm>> -> memref<1x4608xf32, #tpu.memory_space<hbm>>
      %dma_start3A_119 = arith.constant 0 : i32
      %dma_start3A_120 = tpu.memref_slice %arg6[%squeeze3A_112, %dma_start3A_119] : memref<20x4608xf32, #tpu.memory_space<vmem>> -> memref<1x4608xf32, #tpu.memory_space<vmem>>
      tpu.enqueue_dma source(%dma_start3A_120 : memref<1x4608xf32, #tpu.memory_space<vmem>>) target(%dma_start3A_118 : memref<1x4608xf32, #tpu.memory_space<hbm>>) target_semaphore(%arg7 : memref<!tpu.dma_semaphore, #tpu.memory_space<semaphore_mem>>)
      %slice3A_121 = vector.extract_strided_slice %get3A_50 {offsets = [7], sizes = [1], strides = [1]} : vector<16xi32> to vector<1xi32>
      %squeeze3A_122 = vector.extract %slice3A_121[0] : i32 from vector<1xi32>
      %add3A_123 = arith.constant 7 : i32
      %add3A_124 = arith.addi %add3A_53, %add3A_123 : i32
      %dma_start3A_125 = arith.constant 0 : i32
      %dma_start3A_126 = tpu.memref_slice %arg6[%squeeze3A_122, %dma_start3A_125] : memref<20x4608xf32, #tpu.memory_space<vmem>> -> memref<1x4608xf32, #tpu.memory_space<vmem>>
      %dma_start3A_127 = tpu.memref_slice %arg4[%add3A_124, %mul3A_32] : memref<20480x18432xf32, #tpu.memory_space<hbm>> -> memref<1x4608xf32, #tpu.memory_space<hbm>>
      %dma_start3A_128 = tpu.memref_slice %arg4[%add3A_124, %mul3A_32] : memref<20480x18432xf32, #tpu.memory_space<hbm>> -> memref<1x4608xf32, #tpu.memory_space<hbm>>
      %dma_start3A_129 = arith.constant 0 : i32
      %dma_start3A_130 = tpu.memref_slice %arg6[%squeeze3A_122, %dma_start3A_129] : memref<20x4608xf32, #tpu.memory_space<vmem>> -> memref<1x4608xf32, #tpu.memory_space<vmem>>
      tpu.enqueue_dma source(%dma_start3A_130 : memref<1x4608xf32, #tpu.memory_space<vmem>>) target(%dma_start3A_128 : memref<1x4608xf32, #tpu.memory_space<hbm>>) target_semaphore(%arg7 : memref<!tpu.dma_semaphore, #tpu.memory_space<semaphore_mem>>)
      %slice3A_131 = vector.extract_strided_slice %get3A_50 {offsets = [8], sizes = [1], strides = [1]} : vector<16xi32> to vector<1xi32>
      %squeeze3A_132 = vector.extract %slice3A_131[0] : i32 from vector<1xi32>
      %add3A_133 = arith.constant 8 : i32
      %add3A_134 = arith.addi %add3A_53, %add3A_133 : i32
      %dma_start3A_135 = arith.constant 0 : i32
      %dma_start3A_136 = tpu.memref_slice %arg6[%squeeze3A_132, %dma_start3A_135] : memref<20x4608xf32, #tpu.memory_space<vmem>> -> memref<1x4608xf32, #tpu.memory_space<vmem>>
      %dma_start3A_137 = tpu.memref_slice %arg4[%add3A_134, %mul3A_32] : memref<20480x18432xf32, #tpu.memory_space<hbm>> -> memref<1x4608xf32, #tpu.memory_space<hbm>>
      %dma_start3A_138 = tpu.memref_slice %arg4[%add3A_134, %mul3A_32] : memref<20480x18432xf32, #tpu.memory_space<hbm>> -> memref<1x4608xf32, #tpu.memory_space<hbm>>
      %dma_start3A_139 = arith.constant 0 : i32
      %dma_start3A_140 = tpu.memref_slice %arg6[%squeeze3A_132, %dma_start3A_139] : memref<20x4608xf32, #tpu.memory_space<vmem>> -> memref<1x4608xf32, #tpu.memory_space<vmem>>
      tpu.enqueue_dma source(%dma_start3A_140 : memref<1x4608xf32, #tpu.memory_space<vmem>>) target(%dma_start3A_138 : memref<1x4608xf32, #tpu.memory_space<hbm>>) target_semaphore(%arg7 : memref<!tpu.dma_semaphore, #tpu.memory_space<semaphore_mem>>)
      %slice3A_141 = vector.extract_strided_slice %get3A_50 {offsets = [9], sizes = [1], strides = [1]} : vector<16xi32> to vector<1xi32>
      %squeeze3A_142 = vector.extract %slice3A_141[0] : i32 from vector<1xi32>
      %add3A_143 = arith.constant 9 : i32
      %add3A_144 = arith.addi %add3A_53, %add3A_143 : i32
      %dma_start3A_145 = arith.constant 0 : i32
      %dma_start3A_146 = tpu.memref_slice %arg6[%squeeze3A_142, %dma_start3A_145] : memref<20x4608xf32, #tpu.memory_space<vmem>> -> memref<1x4608xf32, #tpu.memory_space<vmem>>
      %dma_start3A_147 = tpu.memref_slice %arg4[%add3A_144, %mul3A_32] : memref<20480x18432xf32, #tpu.memory_space<hbm>> -> memref<1x4608xf32, #tpu.memory_space<hbm>>
      %dma_start3A_148 = tpu.memref_slice %arg4[%add3A_144, %mul3A_32] : memref<20480x18432xf32, #tpu.memory_space<hbm>> -> memref<1x4608xf32, #tpu.memory_space<hbm>>
      %dma_start3A_149 = arith.constant 0 : i32
      %dma_start3A_150 = tpu.memref_slice %arg6[%squeeze3A_142, %dma_start3A_149] : memref<20x4608xf32, #tpu.memory_space<vmem>> -> memref<1x4608xf32, #tpu.memory_space<vmem>>
      tpu.enqueue_dma source(%dma_start3A_150 : memref<1x4608xf32, #tpu.memory_space<vmem>>) target(%dma_start3A_148 : memref<1x4608xf32, #tpu.memory_space<hbm>>) target_semaphore(%arg7 : memref<!tpu.dma_semaphore, #tpu.memory_space<semaphore_mem>>)
      %slice3A_151 = vector.extract_strided_slice %get3A_50 {offsets = [10], sizes = [1], strides = [1]} : vector<16xi32> to vector<1xi32>
      %squeeze3A_152 = vector.extract %slice3A_151[0] : i32 from vector<1xi32>
      %add3A_153 = arith.constant 10 : i32
      %add3A_154 = arith.addi %add3A_53, %add3A_153 : i32
      %dma_start3A_155 = arith.constant 0 : i32
      %dma_start3A_156 = tpu.memref_slice %arg6[%squeeze3A_152, %dma_start3A_155] : memref<20x4608xf32, #tpu.memory_space<vmem>> -> memref<1x4608xf32, #tpu.memory_space<vmem>>
      %dma_start3A_157 = tpu.memref_slice %arg4[%add3A_154, %mul3A_32] : memref<20480x18432xf32, #tpu.memory_space<hbm>> -> memref<1x4608xf32, #tpu.memory_space<hbm>>
      %dma_start3A_158 = tpu.memref_slice %arg4[%add3A_154, %mul3A_32] : memref<20480x18432xf32, #tpu.memory_space<hbm>> -> memref<1x4608xf32, #tpu.memory_space<hbm>>
      %dma_start3A_159 = arith.constant 0 : i32
      %dma_start3A_160 = tpu.memref_slice %arg6[%squeeze3A_152, %dma_start3A_159] : memref<20x4608xf32, #tpu.memory_space<vmem>> -> memref<1x4608xf32, #tpu.memory_space<vmem>>
      tpu.enqueue_dma source(%dma_start3A_160 : memref<1x4608xf32, #tpu.memory_space<vmem>>) target(%dma_start3A_158 : memref<1x4608xf32, #tpu.memory_space<hbm>>) target_semaphore(%arg7 : memref<!tpu.dma_semaphore, #tpu.memory_space<semaphore_mem>>)
      %slice3A_161 = vector.extract_strided_slice %get3A_50 {offsets = [11], sizes = [1], strides = [1]} : vector<16xi32> to vector<1xi32>
      %squeeze3A_162 = vector.extract %slice3A_161[0] : i32 from vector<1xi32>
      %add3A_163 = arith.constant 11 : i32
      %add3A_164 = arith.addi %add3A_53, %add3A_163 : i32
      %dma_start3A_165 = arith.constant 0 : i32
      %dma_start3A_166 = tpu.memref_slice %arg6[%squeeze3A_162, %dma_start3A_165] : memref<20x4608xf32, #tpu.memory_space<vmem>> -> memref<1x4608xf32, #tpu.memory_space<vmem>>
      %dma_start3A_167 = tpu.memref_slice %arg4[%add3A_164, %mul3A_32] : memref<20480x18432xf32, #tpu.memory_space<hbm>> -> memref<1x4608xf32, #tpu.memory_space<hbm>>
      %dma_start3A_168 = tpu.memref_slice %arg4[%add3A_164, %mul3A_32] : memref<20480x18432xf32, #tpu.memory_space<hbm>> -> memref<1x4608xf32, #tpu.memory_space<hbm>>
      %dma_start3A_169 = arith.constant 0 : i32
      %dma_start3A_170 = tpu.memref_slice %arg6[%squeeze3A_162, %dma_start3A_169] : memref<20x4608xf32, #tpu.memory_space<vmem>> -> memref<1x4608xf32, #tpu.memory_space<vmem>>
      tpu.enqueue_dma source(%dma_start3A_170 : memref<1x4608xf32, #tpu.memory_space<vmem>>) target(%dma_start3A_168 : memref<1x4608xf32, #tpu.memory_space<hbm>>) target_semaphore(%arg7 : memref<!tpu.dma_semaphore, #tpu.memory_space<semaphore_mem>>)
      %slice3A_171 = vector.extract_strided_slice %get3A_50 {offsets = [12], sizes = [1], strides = [1]} : vector<16xi32> to vector<1xi32>
      %squeeze3A_172 = vector.extract %slice3A_171[0] : i32 from vector<1xi32>
      %add3A_173 = arith.constant 12 : i32
      %add3A_174 = arith.addi %add3A_53, %add3A_173 : i32
      %dma_start3A_175 = arith.constant 0 : i32
      %dma_start3A_176 = tpu.memref_slice %arg6[%squeeze3A_172, %dma_start3A_175] : memref<20x4608xf32, #tpu.memory_space<vmem>> -> memref<1x4608xf32, #tpu.memory_space<vmem>>
      %dma_start3A_177 = tpu.memref_slice %arg4[%add3A_174, %mul3A_32] : memref<20480x18432xf32, #tpu.memory_space<hbm>> -> memref<1x4608xf32, #tpu.memory_space<hbm>>
      %dma_start3A_178 = tpu.memref_slice %arg4[%add3A_174, %mul3A_32] : memref<20480x18432xf32, #tpu.memory_space<hbm>> -> memref<1x4608xf32, #tpu.memory_space<hbm>>
      %dma_start3A_179 = arith.constant 0 : i32
      %dma_start3A_180 = tpu.memref_slice %arg6[%squeeze3A_172, %dma_start3A_179] : memref<20x4608xf32, #tpu.memory_space<vmem>> -> memref<1x4608xf32, #tpu.memory_space<vmem>>
      tpu.enqueue_dma source(%dma_start3A_180 : memref<1x4608xf32, #tpu.memory_space<vmem>>) target(%dma_start3A_178 : memref<1x4608xf32, #tpu.memory_space<hbm>>) target_semaphore(%arg7 : memref<!tpu.dma_semaphore, #tpu.memory_space<semaphore_mem>>)
      %slice3A_181 = vector.extract_strided_slice %get3A_50 {offsets = [13], sizes = [1], strides = [1]} : vector<16xi32> to vector<1xi32>
      %squeeze3A_182 = vector.extract %slice3A_181[0] : i32 from vector<1xi32>
      %add3A_183 = arith.constant 13 : i32
      %add3A_184 = arith.addi %add3A_53, %add3A_183 : i32
      %dma_start3A_185 = arith.constant 0 : i32
      %dma_start3A_186 = tpu.memref_slice %arg6[%squeeze3A_182, %dma_start3A_185] : memref<20x4608xf32, #tpu.memory_space<vmem>> -> memref<1x4608xf32, #tpu.memory_space<vmem>>
      %dma_start3A_187 = tpu.memref_slice %arg4[%add3A_184, %mul3A_32] : memref<20480x18432xf32, #tpu.memory_space<hbm>> -> memref<1x4608xf32, #tpu.memory_space<hbm>>
      %dma_start3A_188 = tpu.memref_slice %arg4[%add3A_184, %mul3A_32] : memref<20480x18432xf32, #tpu.memory_space<hbm>> -> memref<1x4608xf32, #tpu.memory_space<hbm>>
      %dma_start3A_189 = arith.constant 0 : i32
      %dma_start3A_190 = tpu.memref_slice %arg6[%squeeze3A_182, %dma_start3A_189] : memref<20x4608xf32, #tpu.memory_space<vmem>> -> memref<1x4608xf32, #tpu.memory_space<vmem>>
      tpu.enqueue_dma source(%dma_start3A_190 : memref<1x4608xf32, #tpu.memory_space<vmem>>) target(%dma_start3A_188 : memref<1x4608xf32, #tpu.memory_space<hbm>>) target_semaphore(%arg7 : memref<!tpu.dma_semaphore, #tpu.memory_space<semaphore_mem>>)
      %slice3A_191 = vector.extract_strided_slice %get3A_50 {offsets = [14], sizes = [1], strides = [1]} : vector<16xi32> to vector<1xi32>
      %squeeze3A_192 = vector.extract %slice3A_191[0] : i32 from vector<1xi32>
      %add3A_193 = arith.constant 14 : i32
      %add3A_194 = arith.addi %add3A_53, %add3A_193 : i32
      %dma_start3A_195 = arith.constant 0 : i32
      %dma_start3A_196 = tpu.memref_slice %arg6[%squeeze3A_192, %dma_start3A_195] : memref<20x4608xf32, #tpu.memory_space<vmem>> -> memref<1x4608xf32, #tpu.memory_space<vmem>>
      %dma_start3A_197 = tpu.memref_slice %arg4[%add3A_194, %mul3A_32] : memref<20480x18432xf32, #tpu.memory_space<hbm>> -> memref<1x4608xf32, #tpu.memory_space<hbm>>
      %dma_start3A_198 = tpu.memref_slice %arg4[%add3A_194, %mul3A_32] : memref<20480x18432xf32, #tpu.memory_space<hbm>> -> memref<1x4608xf32, #tpu.memory_space<hbm>>
      %dma_start3A_199 = arith.constant 0 : i32
      %dma_start3A_200 = tpu.memref_slice %arg6[%squeeze3A_192, %dma_start3A_199] : memref<20x4608xf32, #tpu.memory_space<vmem>> -> memref<1x4608xf32, #tpu.memory_space<vmem>>
      tpu.enqueue_dma source(%dma_start3A_200 : memref<1x4608xf32, #tpu.memory_space<vmem>>) target(%dma_start3A_198 : memref<1x4608xf32, #tpu.memory_space<hbm>>) target_semaphore(%arg7 : memref<!tpu.dma_semaphore, #tpu.memory_space<semaphore_mem>>)
      %slice3A_201 = vector.extract_strided_slice %get3A_50 {offsets = [15], sizes = [1], strides = [1]} : vector<16xi32> to vector<1xi32>
      %squeeze3A_202 = vector.extract %slice3A_201[0] : i32 from vector<1xi32>
      %add3A_203 = arith.constant 15 : i32
      %add3A_204 = arith.addi %add3A_53, %add3A_203 : i32
      %dma_start3A_205 = arith.constant 0 : i32
      %dma_start3A_206 = tpu.memref_slice %arg6[%squeeze3A_202, %dma_start3A_205] : memref<20x4608xf32, #tpu.memory_space<vmem>> -> memref<1x4608xf32, #tpu.memory_space<vmem>>
      %dma_start3A_207 = tpu.memref_slice %arg4[%add3A_204, %mul3A_32] : memref<20480x18432xf32, #tpu.memory_space<hbm>> -> memref<1x4608xf32, #tpu.memory_space<hbm>>
      %dma_start3A_208 = tpu.memref_slice %arg4[%add3A_204, %mul3A_32] : memref<20480x18432xf32, #tpu.memory_space<hbm>> -> memref<1x4608xf32, #tpu.memory_space<hbm>>
      %dma_start3A_209 = arith.constant 0 : i32
      %dma_start3A_210 = tpu.memref_slice %arg6[%squeeze3A_202, %dma_start3A_209] : memref<20x4608xf32, #tpu.memory_space<vmem>> -> memref<1x4608xf32, #tpu.memory_space<vmem>>
      tpu.enqueue_dma source(%dma_start3A_210 : memref<1x4608xf32, #tpu.memory_space<vmem>>) target(%dma_start3A_208 : memref<1x4608xf32, #tpu.memory_space<hbm>>) target_semaphore(%arg7 : memref<!tpu.dma_semaphore, #tpu.memory_space<semaphore_mem>>)
    }
    %scan3A_39 = arith.constant 160 : i32
    %scan3A_40 = arith.constant 0 : i32
    %scan3A_41 = arith.constant 0 : i32
    %scan3A_42 = arith.constant 2560 : i32
    %scan3A_43 = arith.addi %scan3A_41, %scan3A_42 : i32
    %scan3A_44 = arith.constant 1 : i32
    scf.for %scan3A_46 = %scan3A_41 to %scan3A_43 step %scan3A_44  : i32 {
      %dma_wait3A = arith.constant 0 : i32
      %dma_wait3A_47 = arith.constant 0 : i32
      %dma_wait3A_48 = tpu.memref_slice %arg6[%dma_wait3A, %dma_wait3A_47] : memref<20x4608xf32, #tpu.memory_space<vmem>> -> memref<1x4608xf32, #tpu.memory_space<vmem>>
      %dma_wait3A_49 = tpu.memref_slice %arg4[%mul3A_34, %mul3A_32] : memref<20480x18432xf32, #tpu.memory_space<hbm>> -> memref<1x4608xf32, #tpu.memory_space<hbm>>
      %dma_wait3A_50 = tpu.memref_slice %arg4[%mul3A_34, %mul3A_32] : memref<20480x18432xf32, #tpu.memory_space<hbm>> -> memref<1x4608xf32, #tpu.memory_space<hbm>>
      %dma_wait3A_51 = arith.constant 0 : i32
      %dma_wait3A_52 = arith.constant 0 : i32
      %dma_wait3A_53 = tpu.memref_slice %arg6[%dma_wait3A_51, %dma_wait3A_52] : memref<20x4608xf32, #tpu.memory_space<vmem>> -> memref<1x4608xf32, #tpu.memory_space<vmem>>
      tpu.wait_dma2 semaphore(%arg7 : memref<!tpu.dma_semaphore, #tpu.memory_space<semaphore_mem>>) src(%dma_wait3A_53 : memref<1x4608xf32, #tpu.memory_space<vmem>>) dst(%dma_wait3A_50 : memref<1x4608xf32, #tpu.memory_space<hbm>>)
    }
    %scan3A_45 = arith.constant 2560 : i32
    return
  }
}

</mosaic_0001>

<sc_bundles>
// kernel: kernel.3.cloned.1.call-start
scs
__scs_entry_jumppad:
0x0: {  	(pc) =	sbr.rel $0x88, $3  }
0x1: {  	(tag) =	ssettag $0x0;
	lr =	simm.s32 $0x1  }
0x2: {  	[smem:$0x3F9F] =	sst lr;
	_ =	strace $0xD0000000  }
0x3: {  	_ = 	snop  }
0x4: {  	_ = 	snop  }
0x5: {  	_ = 	snop  }
0x6: {  	_ = 	snop  }
0x7: {  	_ = 	snop  }
__scs_overlays_trampoline_lowered:
0x8: {  	[smem:$0x3FAE] =	sst s0  }
0x9: {  	[smem:$0x3FAF] =	sst s1  }
0xa: {  	[smem:$0x3FB0] =	sst s2  }
0xb: {  	[smem:$0x3FB1] =	sst s3  }
0xc: {  	[smem:$0x3FB2] =	sst s4  }
0xd: {  	[smem:$0x3FB3] =	sst s5  }
0xe: {  	[smem:$0x3FB4] =	sst s6  }
0xf: {  	[smem:$0x3FB5] =	sst s7  }
0x10: {  	[smem:$0x3FB6] =	sst s8  }
0x11: {  	[smem:$0x3FB7] =	sst s9;
	s0 =	simm.s32 @!p0 $0x0  }
0x12: {  	s1 =	sld [smem:$0x3F9D];
	s0 =	simm.s32 @p0 $0x1  }
0x13: {  	[smem:$0x3FB8] =	sst s0;
	s0 =	simm.s32 @!p1 $0x0  }
0x14: {  	s2 =	sld [smem:$0x3F9C];
	s0 =	simm.s32 @p1 $0x1  }
0x15: {  	[smem:$0x3FB9] =	sst s0;
	s0 =	simm.s32 @!p2 $0x0  }
0x16: {  	s3 =	sld [smem:$0x3FDB];
	s0 =	simm.s32 @p2 $0x1  }
0x17: {  	s4 =	simm.s32 $0x1BF5;
	[smem:$0x3FBB] =	sst s0  }
0x18: {  	s0 =	sld [smem:$0x3F9E];
	_ =	swait.ge [sflag:s4], $0x0  }
0x19: {  	s7 =	sld [smem:$0x3F9F]  }
0x1a: {  	s8 =	sadd.s32 $0xFFFFE003, lr  }
0x1b: {  	s9 =	sadd.s32 $0xFFFFFEF7, lr;
	s5 =	simm.s32 $0xFFFFFFFF;
	p2 =	slt.u32 s8, $0xFFFFF086  }
0x1c: {  	p1 =	slt.u32 s9, $0xF7A;
	s5 =	simm.s32 @!p2 $0x0  }
0x1d: {  	s5 =	simm.s32 @p1 $0x1;
	p0 =	seq.s32 s7, s2  }
0x1e: {  	s7 =	smul.u32 @!p0 $0xF7A, s2;
	p2 =	seq.s32 @!p0 s5, $0x0  }
0x1f: {  	s9 =	smul.u32 $0xF7A, s1;
	s8 =	simm.s32 @!p0 $0x1BF5;
	p2 =	por !p2, p0  }
0x20: {  	[sflag:s8] =	ssyncset.s32 @!p0 $0xFFFFF086;
	s6 =	sadd.s32 @!p0 s3, s7;
	s7 =	simm.s32 @!p0 $0x108  }
0x21: {  	s3 =	sadd.s32 s3, s9;
	s6 =	sadd.s32 @!p0 $0x88, s6;
	s7 =	simm.s32 @p2 $0x1082  }
0x22: {  	[simem:s7], [sflag:s8] =	dma.local @!p0 [hbm:s6], $0xF7A  }
0x23: {  	s9 =	sor.u32 $0xD0000000, s2;
	s6 =	simm.s32 $0x108;
	_ =	swait.ge @!p0 [sflag:s8], $0x0  }
0x24: {  	s3 =	sadd.s32 $0x88, s3;
	s6 =	simm.s32 @!p1 $0x1082;
	[sflag:s4] =	ssyncset.s32 $0xFFFFF086  }
0x25: {  	[simem:s6], [sflag:s4] =	dma.local [hbm:s3], $0xF7A  }
0x26: {  	[smem:$0x3F9F] =	sst s1;
	(tag) =	ssettag s2;
	_ =	strace s9  }
0x27: {  	s1 =	sld [smem:$0x3FAF]  }
0x28: {  	s2 =	sld [smem:$0x3FB0]  }
0x29: {  	s4 =	sld [smem:$0x3FB2]  }
0x2a: {  	p0 =	seq.s32 s5, $0x0;
	s5 =	sld [smem:$0x3FB3]  }
0x2b: {  	s6 =	sld [smem:$0x3FB4]  }
0x2c: {  	s7 =	sld [smem:$0x3FB5]  }
0x2d: {  	s3 =	simm.s32 $0x108;
	s8 =	sld [smem:$0x3FB6]  }
0x2e: {  	s3 =	simm.s32 @!p0 $0x1082;
	s9 =	sld [smem:$0x3FB7]  }
0x2f: {  	lr =	sadd.s32 s0, s3;
	s0 =	sld [smem:$0x3FAE]  }
0x30: {  	s3 =	sld [smem:$0x3FB1]  }
0x31: {  	[smem:$0x3FBA] =	sst s10  }
0x32: {  	s10 =	sld [smem:$0x3FB8];
	_ =	sdelay $0x3  }
0x33: {  	p0 =	seq.s32 s10, $0x1;
	s10 =	sld [smem:$0x3FBA];
	_ =	sdelay $0x3  }
0x34: {  	[smem:$0x3FBA] =	sst s10  }
0x35: {  	s10 =	sld [smem:$0x3FB9];
	_ =	sdelay $0x3  }
0x36: {  	p1 =	seq.s32 s10, $0x1;
	s10 =	sld [smem:$0x3FBA];
	_ =	sdelay $0x3  }
0x37: {  	[smem:$0x3FBA] =	sst s10  }
0x38: {  	s10 =	sld [smem:$0x3FBB]  }
0x39: {  	_ = 	snop;
	(pc) =	sbr.ind lr, $3  }
0x3a: {  	_ = 	snop  }
0x3b: {  	_ = 	snop  }
0x3c: {  	p2 =	seq.s32 s10, $0x1;
	s10 =	sld [smem:$0x3FBA]  }
0x3d: {  	_ =	shalt  }
0x3e: {  	_ =	shalt  }
0x3f: {  	_ =	shalt  }
0x40: {  	_ =	shalt  }
0x41: {  	_ =	shalt  }
0x42: {  	_ =	shalt  }
0x43: {  	_ =	shalt  }
0x44: {  	_ =	shalt  }
0x45: {  	_ =	shalt  }
0x46: {  	_ =	shalt  }
0x47: {  	_ =	shalt  }
0x48: {  	_ =	shalt  }
0x49: {  	_ =	shalt  }
0x4a: {  	_ =	shalt  }
0x4b: {  	_ =	shalt  }
0x4c: {  	_ =	shalt  }
0x4d: {  	_ =	shalt  }
0x4e: {  	_ =	shalt  }
0x4f: {  	_ =	shalt  }
0x50: {  	_ =	shalt  }
0x51: {  	_ =	shalt  }
0x52: {  	_ =	shalt  }
0x53: {  	_ =	shalt  }
0x54: {  	_ =	shalt  }
0x55: {  	_ =	shalt  }
0x56: {  	_ =	shalt  }
0x57: {  	_ =	shalt  }
0x58: {  	_ =	shalt  }
0x59: {  	_ =	shalt  }
0x5a: {  	_ =	shalt  }
0x5b: {  	_ =	shalt  }
0x5c: {  	_ =	shalt  }
0x5d: {  	_ =	shalt  }
0x5e: {  	_ =	shalt  }
0x5f: {  	_ =	shalt  }
0x60: {  	_ =	shalt  }
0x61: {  	_ =	shalt  }
0x62: {  	_ =	shalt  }
0x63: {  	_ =	shalt  }
0x64: {  	_ =	shalt  }
0x65: {  	_ =	shalt  }
0x66: {  	_ =	shalt  }
0x67: {  	_ =	shalt  }
0x68: {  	_ =	shalt  }
0x69: {  	_ =	shalt  }
0x6a: {  	_ =	shalt  }
0x6b: {  	_ =	shalt  }
0x6c: {  	_ =	shalt  }
0x6d: {  	_ =	shalt  }
0x6e: {  	_ =	shalt  }
0x6f: {  	_ =	shalt  }
0x70: {  	_ =	shalt  }
0x71: {  	_ =	shalt  }
0x72: {  	_ =	shalt  }
0x73: {  	_ =	shalt  }
0x74: {  	_ =	shalt  }
0x75: {  	_ =	shalt  }
0x76: {  	_ =	shalt  }
0x77: {  	_ =	shalt  }
0x78: {  	_ =	shalt  }
0x79: {  	_ =	shalt  }
0x7a: {  	_ =	shalt  }
0x7b: {  	_ =	shalt  }
0x7c: {  	_ =	shalt  }
0x7d: {  	_ =	shalt  }
0x7e: {  	_ =	shalt  }
0x7f: {  	_ =	shalt  }
0x80: {  	_ =	shalt  }
0x81: {  	_ =	shalt  }
0x82: {  	_ =	shalt  }
0x83: {  	_ =	shalt  }
0x84: {  	_ =	shalt  }
0x85: {  	_ =	shalt  }
0x86: {  	_ =	shalt  }
0x87: {  	_ =	shalt  }
.Lfunc_end0:
.L_simem_size_0:
called_computation.1_lowered:
.L_overlay_start_0:
0x88: {  	s2 =	sld [smem:$0x3FD9]  }
0x89: {  	s3 =	sld [smem:$0x3FFE];
	_ =	sdelay $0x1  }
0x8a: {  	s1 =	srdreg.scid  }
0x8b: {  	s0 =	sand.u32 $0x1, s1  }
0x8c: {  	s17 =	sshll.u32 s0, $0xA;
	s2 =	sadd.s32 s3, s2  }
0x8d: {  	s2 =	sadd.s32 s2, s17  }
0x8e: {  	[smem:$0x3FC6] =	sst s2  }
0x8f: {  	_ = 	snop  }
0x90: {  	s2 =	sld [smem:$0x3FC8]  }
0x91: {  	s18 =	sld [smem:$0x3FD0];
	(tm) =	ssettm $0x1  }
0x92: {  	s4 =	sld [smem:$0x3FFB];
	_ =	sdelay $0x3  }
0x93: {  	_ =	strace s4  }
0x94: {  	s4 =	sld [smem:$0x3FFC];
	_ =	sdelay $0x3  }
0x95: {  	_ =	strace s4  }
0x96: {  	s4 =	sld [smem:$0x3FFD];
	_ =	sdelay $0x3  }
0x97: {  	_ =	strace s4  }
0x98: {  	_ =	strace $0x8FFFFFFF  }
0x99: {  	s19 =	sld [smem:$0x3FDB];
	_ =	sdelay $0x1  }
0x9a: {  	s5 =	simm.s32 $_scs_section_size  }
0x9b: {  	s6 =	simm.s32 $_size__tile_overlayer_lowered;
	s7 =	simm.s32 $_tile_overlayer_lowered  }
0x9c: {  	s22 =	simm.s32 $0x1BFF;
	s21 =	sshll.u32 s7, $0x1;
	s4 =	sadd.s32 s5, s19  }
0x9d: {  	s8 =	simm.s32 $0x0;
	s20 =	sshll.u32 s6, $0x1;
	s6 =	sadd.s32 s21, s4  }
0x9e: {  	[timem:s8], [sflag:s22] =	dma.local [hbm:s6], s20  }
0x9f: {  	_ =	swait.ge [sflag:s22], s20  }
0xa0: {  	s5 =	ssub.s32 $0x0, s20;
	[sflag:s22] =	ssyncset.done $0x0  }
0xa1: {  	[sflag:s22] =	ssyncadd.s32 s5;
	_ =	sdelay $0x1  }
0xa2: {  	s23 =	simm.s32 $0x1B8B  }
0xa3: {  	_ =	swait.ge [sflag:s23], $0x1  }
0xa4: {  	[sflag:s23] =	ssyncset.done $0x0  }
0xa5: {  	s25 =	simm.s32 $0x1B8E;
	s24 =	sld [smem:$0x3FFE];
	[sflag:s23] =	ssyncadd.s32 $0xFFFFFFFF  }
0xa6: {  	s26 =	simm.s32 $execute0_lowered;
	[smem:$0x3FD2] =	sst s25  }
0xa7: {  	s6 =	sshll.u32 s26, $0x1;
	_ =	strace $0x80000046;
	[dreg:$0x1] =	wrdreg $0xFFFFFFFF  }
0xa8: {  	s28 =	simm.s32 $_size_execute0_lowered;
	s4 =	sadd.s32 s4, s6;
	[dreg:$0x0] =	wrdreg $0x0  }
0xa9: {  	s6 =	sshll.u32 s28, $0x1;
	[dreg:$0x2] =	wrdreg s4  }
0xaa: {  	[dreg:$0x3] =	wrdreg s6  }
0xab: {  	[dreg:$0x4] =	wrdreg $0xC0  }
0xac: {  	_ =	task [dreg:s8], $0x5FFFF  }
0xad: {  	[dreg:$0x1] =	wrdreg $0xFFFFFFFF  }
0xae: {  	[dreg:$0x0] =	wrdreg $0x60  }
0xaf: {  	[dreg:$0x2] =	wrdreg s24  }
0xb0: {  	[dreg:$0x3] =	wrdreg s2  }
0xb1: {  	[dreg:$0x4] =	wrdreg s18  }
0xb2: {  	[dreg:$0x5] =	wrdreg $0x9  }
0xb3: {  	_ =	task.clear_ibuf [dreg:s8], $0x6FFFF;
	_ =	strace $0x90000046  }
0xb4: {  	s29 =	simm.s32 $0x9;
	_ =	strace $0x80000048  }
0xb5: {  	_ =	swait.ge [sflag:s29], $0x1  }
0xb6: {  	[sflag:s29] =	ssyncadd.s32 $0xFFFFFFFF  }
0xb7: {  	_ =	strace $0x90000048  }
0xb8: {  	_ =	sfence  }
0xb9: {  	s30 =	sld [smem:$0x0];
	_ =	sdelay $0x2  }
0xba: {  	s31 =	sshll.u32 s1, $0xD;
	s1 =	sshrl.u32 s1, $0x2  }
0xbb: {  	s3 =	sand.u32 $0x4000, s31;
	s1 =	sadd.s32 s1, s30  }
0xbc: {  	s0 =	sor.u32 s3, s0;
	s1 =	sshll.u32 s1, $0x11  }
0xbd: {  	s0 =	sor.u32 s1, s0  }
0xbe: {  	s0 =	sadd.s32 $0x8F2B, s0  }
0xbf: {  	[sflag:s0] =	ssyncadd.remote.s32 $0x1  }
0xc0: {  	_ =	sfence.sel $0xFFFF  }
0xc1: {  	[dreg:$0x0] =	wrdreg $0xFFFFFFFF;
	(pc) =	sbr.abs _section_cstart, $3  }
0xc2: {  	[dreg:$0x1] =	wrdreg $0xFFFFFFFF  }
0xc3: {  	_ =	task.clear_ibuf [dreg:s8], $0x2FFFF;
	_ =	strace $0x9FFFFFFF  }
0xc4: {  	(tm) =	ssettm $0x7FFFFFFF  }
0xc5: {  	_ =	shalt  }
tec
execute0_lowered:
.L_overlay_start_1:
0x0: {  	(tag) =	ssettag $0x1  }
0x1: {  	s0 =	rddreg [dreg:$0x0]  }
0x2: {  	s1 =	rddreg [dreg:$0x1]  }
0x3: {  	s2 =	rddreg [dreg:$0x2];
	s4 =	srdreg.scid  }
0x4: {  	s3 =	simm.s32 $0x0;
	s7 =	stileid.u32;
	s17 =	simm.s32 $0x9000  }
0x5: {  	s18 =	simm.s32 $0x24000;
	s19 =	simm.s32 $0xA00;
	s20 =	simm.s32 $0x2  }
0x6: {  	s21 =	simm.s32 $0x80;
	s22 =	simm.s32 $0x400;
	s23 =	simm.s32 $0x1  }
0x7: {  	s24 =	simm.s32 $0x0;
	s5 =	sand.u32 $0x1, s4;
	s29 =	sand.u32 $0x3, s7  }
0x8: {  	s7 =	sshrl.u32 s7, $0x2;
	[smem:$0x7FF] =	sst s3;
	s9 =	sadd.s32 $0x20, s2  }
0x9: {  	s10 =	sadd.s32 $0x30, s2;
	s11 =	sadd.s32 $0x40, s2;
	s12 =	sadd.s32 $0x50, s2  }
0xa: {  	s13 =	sadd.s32 $0x60, s2;
	s14 =	sadd.s32 $0x70, s2;
	s6 =	sshll.u32 s5, $0x2  }
0xb: {  	s4 =	smul.u32 $0x9000, s7;
	s5 =	ssub.s32 $0x2, s5;
	s6 =	sor.u32 s6, s29  }
0xc: {  	_ =	strace $0x80000047;
	s31 =	sshrl.u32 s5, $0x1;
	s30 =	sshll.u32 s6, $0x4  }
0xd: {  	s8 =	sshrl.u32 s4, $0x3;
	s16 =	ssub.s32 s5, s31;
	s5 =	smul.u32 $0xA00, s6  }
0xe: {  	s15 =	sadd.s32 $0x24000, s4;
	s0 =	sadd.s32 s30, s0;
	s6 =	sadd.s32 s1, s8  }
0xf: {  	s8 =	sadd.s32 $0x10, s2;
	s16 =	smax.u32 s16, $0x1;
	s7 =	sadd.s32 $0x800, s0  }
.LBB2_1:
0x10: {  	[tilespmem:s19], [sflag:$0x2] =	stream.strided.gather [hbm4b:s6+s17], $0x1B000, s18, s17, $0x38;
	[tilespmem:$0x1BA00] =	vst v63  }
0x11: {  	_ =	swait.ge [sflag:s20], $0x1B000  }
0x12: {  	[sflag:s20] =	ssyncset.done $0x0  }
0x13: {  	[sflag:s20] =	ssyncadd.s32 $0xFFFE5000  }
0x14: {  	[tilespmem:s3], [sflag:$0x2] =	stream.strided.gather [hbm4b:s7+s21], $0xA00, s22, s21, $0x38;
	[tilespmem:$0x1BA00] =	vst v63  }
0x15: {  	_ =	swait.ge [sflag:s20], $0xA00  }
0x16: {  	[sflag:s20] =	ssyncset.done $0x0  }
0x17: {  	s25 =	simm.s32 $0x0;
	[sflag:s20] =	ssyncadd.s32 $0xFFFFF600  }
.LBB2_2:
0x18: {  	s0 =	sshll.u32 s25, $0x4  }
0x19: {  	v0 =	vld [tilespmem:s0+$0x0];
	_ =	sdelay $0x4  }
0x1a: {  	(v2sf) =	vpush v0, $0x0;
	_ =	sdelay $0xe  }
0x1b: {  	s1 =	spop (v2sf)  }
0x1c: {  	s0 =	sadd.s32 s5, s0;
	s26 =	sshrl.u32 s1, $0x3  }
0x1d: {  	s0 =	sshrl.u32 s0, $0x3;
	s28 =	smul.u32 $0x24000, s26  }
0x1e: {  	s26 =	smul.u32 $0x24000, s0  }
0x1f: {  	s1 =	sshll.u32 s1, $0x7  }
0x20: {  	s0 =	sand.u32 $0x380, s1;
	s1 =	sshra.s32 s28, $0x2;
	s28 =	sadd.s32 s4, s26  }
0x21: {  	s0 =	sor.u32 s0, s1;
	s28 =	sshrl.u32 s28, $0x3  }
0x22: {  	s29 =	sadd.s32 $0xA00, s0;
	s30 =	sadd.s32 s2, s28  }
0x23: {  	s31 =	simm.s32 $0x80;
	s1 =	sadd.s32 $0x0, s30;
	s0 =	sadd.s32 $0x400, s29  }
.LBB2_3:
0x24: {  	[hbm4b:s1+s3] =	stream.linear.scatter [tilespmem:s29], [sflag:$0x1], $0x80, $0x38;
	[tilespmem:$0x1BA00] =	vst v63  }
0x25: {  	s1 =	smov.u32 s31;
	s29 =	smov.u32 s0;
	p0 =	sne.s32 s31, $0x1180  }
.Ltmp0:
0x26: {  	s31 =	sadd.s32 $0x80, s31;
	(pc) =	sbr.rel @p0 .LBB2_3-.Ltmp0, $2  }
0x27: {  	_ =	sdelay $0x2  }
0x28: {  	s0 =	sadd.s32 $0x400, s0;
	s1 =	sadd.s32 s1, s30  }
0x29: {  	(v2sf) =	vpush v0, $0x1;
	_ =	sdelay $0xd  }
0x2a: {  	[hbm4b:s1+s3] =	stream.linear.scatter [tilespmem:s29], [sflag:$0x1], $0x80, $0x38;
	[tilespmem:$0x1BA00] =	vst v63  }
0x2b: {  	s0 =	spop (v2sf)  }
0x2c: {  	s1 =	sshrl.u32 s0, $0x3  }
0x2d: {  	s1 =	smul.u32 $0x24000, s1  }
0x2e: {  	s0 =	sshll.u32 s0, $0x7  }
0x2f: {  	s0 =	sand.u32 $0x380, s0;
	s1 =	sshra.s32 s1, $0x2  }
0x30: {  	s0 =	sor.u32 s0, s1  }
0x31: {  	s30 =	sadd.s32 s28, s8;
	s29 =	sadd.s32 $0xA00, s0  }
0x32: {  	s31 =	simm.s32 $0x80;
	s1 =	sadd.s32 $0x0, s30;
	s0 =	sadd.s32 $0x400, s29  }
.LBB2_5:
0x33: {  	[hbm4b:s1+s3] =	stream.linear.scatter [tilespmem:s29], [sflag:$0x1], $0x80, $0x38;
	[tilespmem:$0x1BA00] =	vst v63  }
0x34: {  	s1 =	smov.u32 s31;
	s29 =	smov.u32 s0;
	p0 =	sne.s32 s31, $0x1180  }
.Ltmp1:
0x35: {  	s31 =	sadd.s32 $0x80, s31;
	(pc) =	sbr.rel @p0 .LBB2_5-.Ltmp1, $2  }
0x36: {  	_ =	sdelay $0x2  }
0x37: {  	s0 =	sadd.s32 $0x400, s0;
	s1 =	sadd.s32 s1, s30  }
0x38: {  	(v2sf) =	vpush v0, $0x2;
	_ =	sdelay $0xd  }
0x39: {  	[hbm4b:s1+s3] =	stream.linear.scatter [tilespmem:s29], [sflag:$0x1], $0x80, $0x38;
	[tilespmem:$0x1BA00] =	vst v63  }
0x3a: {  	s0 =	spop (v2sf)  }
0x3b: {  	s1 =	sshrl.u32 s0, $0x3  }
0x3c: {  	s1 =	smul.u32 $0x24000, s1  }
0x3d: {  	s0 =	sshll.u32 s0, $0x7  }
0x3e: {  	s0 =	sand.u32 $0x380, s0;
	s1 =	sshra.s32 s1, $0x2  }
0x3f: {  	s0 =	sor.u32 s0, s1  }
0x40: {  	s30 =	sadd.s32 s28, s9;
	s29 =	sadd.s32 $0xA00, s0  }
0x41: {  	s31 =	simm.s32 $0x80;
	s1 =	sadd.s32 $0x0, s30;
	s0 =	sadd.s32 $0x400, s29  }
.LBB2_7:
0x42: {  	[hbm4b:s1+s3] =	stream.linear.scatter [tilespmem:s29], [sflag:$0x1], $0x80, $0x38;
	[tilespmem:$0x1BA00] =	vst v63  }
0x43: {  	s1 =	smov.u32 s31;
	s29 =	smov.u32 s0;
	p0 =	sne.s32 s31, $0x1180  }
.Ltmp2:
0x44: {  	s31 =	sadd.s32 $0x80, s31;
	(pc) =	sbr.rel @p0 .LBB2_7-.Ltmp2, $2  }
0x45: {  	_ =	sdelay $0x2  }
0x46: {  	s0 =	sadd.s32 $0x400, s0;
	s1 =	sadd.s32 s1, s30  }
0x47: {  	(v2sf) =	vpush v0, $0x3;
	_ =	sdelay $0xd  }
0x48: {  	[hbm4b:s1+s3] =	stream.linear.scatter [tilespmem:s29], [sflag:$0x1], $0x80, $0x38;
	[tilespmem:$0x1BA00] =	vst v63  }
0x49: {  	s0 =	spop (v2sf)  }
0x4a: {  	s1 =	sshrl.u32 s0, $0x3  }
0x4b: {  	s1 =	smul.u32 $0x24000, s1  }
0x4c: {  	s0 =	sshll.u32 s0, $0x7  }
0x4d: {  	s0 =	sand.u32 $0x380, s0;
	s1 =	sshra.s32 s1, $0x2  }
0x4e: {  	s0 =	sor.u32 s0, s1  }
0x4f: {  	s30 =	sadd.s32 s28, s10;
	s29 =	sadd.s32 $0xA00, s0  }
0x50: {  	s31 =	simm.s32 $0x80;
	s1 =	sadd.s32 $0x0, s30;
	s0 =	sadd.s32 $0x400, s29  }
.LBB2_9:
0x51: {  	[hbm4b:s1+s3] =	stream.linear.scatter [tilespmem:s29], [sflag:$0x1], $0x80, $0x38;
	[tilespmem:$0x1BA00] =	vst v63  }
0x52: {  	s1 =	smov.u32 s31;
	s29 =	smov.u32 s0;
	p0 =	sne.s32 s31, $0x1180  }
.Ltmp3:
0x53: {  	s31 =	sadd.s32 $0x80, s31;
	(pc) =	sbr.rel @p0 .LBB2_9-.Ltmp3, $2  }
0x54: {  	_ =	sdelay $0x2  }
0x55: {  	s0 =	sadd.s32 $0x400, s0;
	s1 =	sadd.s32 s1, s30  }
0x56: {  	(v2sf) =	vpush v0, $0x4;
	_ =	sdelay $0xd  }
0x57: {  	[hbm4b:s1+s3] =	stream.linear.scatter [tilespmem:s29], [sflag:$0x1], $0x80, $0x38;
	[tilespmem:$0x1BA00] =	vst v63  }
0x58: {  	s0 =	spop (v2sf)  }
0x59: {  	s1 =	sshrl.u32 s0, $0x3  }
0x5a: {  	s1 =	smul.u32 $0x24000, s1  }
0x5b: {  	s0 =	sshll.u32 s0, $0x7  }
0x5c: {  	s0 =	sand.u32 $0x380, s0;
	s1 =	sshra.s32 s1, $0x2  }
0x5d: {  	s0 =	sor.u32 s0, s1  }
0x5e: {  	s30 =	sadd.s32 s28, s11;
	s29 =	sadd.s32 $0xA00, s0  }
0x5f: {  	s31 =	simm.s32 $0x80;
	s1 =	sadd.s32 $0x0, s30;
	s0 =	sadd.s32 $0x400, s29  }
.LBB2_11:
0x60: {  	[hbm4b:s1+s3] =	stream.linear.scatter [tilespmem:s29], [sflag:$0x1], $0x80, $0x38;
	[tilespmem:$0x1BA00] =	vst v63  }
0x61: {  	s1 =	smov.u32 s31;
	s29 =	smov.u32 s0;
	p0 =	sne.s32 s31, $0x1180  }
.Ltmp4:
0x62: {  	s31 =	sadd.s32 $0x80, s31;
	(pc) =	sbr.rel @p0 .LBB2_11-.Ltmp4, $2  }
0x63: {  	_ =	sdelay $0x2  }
0x64: {  	s0 =	sadd.s32 $0x400, s0;
	s1 =	sadd.s32 s1, s30  }
0x65: {  	(v2sf) =	vpush v0, $0x5;
	_ =	sdelay $0xd  }
0x66: {  	[hbm4b:s1+s3] =	stream.linear.scatter [tilespmem:s29], [sflag:$0x1], $0x80, $0x38;
	[tilespmem:$0x1BA00] =	vst v63  }
0x67: {  	s0 =	spop (v2sf)  }
0x68: {  	s1 =	sshrl.u32 s0, $0x3  }
0x69: {  	s1 =	smul.u32 $0x24000, s1  }
0x6a: {  	s0 =	sshll.u32 s0, $0x7  }
0x6b: {  	s0 =	sand.u32 $0x380, s0;
	s1 =	sshra.s32 s1, $0x2  }
0x6c: {  	s0 =	sor.u32 s0, s1  }
0x6d: {  	s30 =	sadd.s32 s28, s12;
	s29 =	sadd.s32 $0xA00, s0  }
0x6e: {  	s31 =	simm.s32 $0x80;
	s1 =	sadd.s32 $0x0, s30;
	s0 =	sadd.s32 $0x400, s29  }
.LBB2_13:
0x6f: {  	[hbm4b:s1+s3] =	stream.linear.scatter [tilespmem:s29], [sflag:$0x1], $0x80, $0x38;
	[tilespmem:$0x1BA00] =	vst v63  }
0x70: {  	s1 =	smov.u32 s31;
	s29 =	smov.u32 s0;
	p0 =	sne.s32 s31, $0x1180  }
.Ltmp5:
0x71: {  	s31 =	sadd.s32 $0x80, s31;
	(pc) =	sbr.rel @p0 .LBB2_13-.Ltmp5, $2  }
0x72: {  	_ =	sdelay $0x2  }
0x73: {  	s0 =	sadd.s32 $0x400, s0;
	s1 =	sadd.s32 s1, s30  }
0x74: {  	(v2sf) =	vpush v0, $0x6;
	_ =	sdelay $0xd  }
0x75: {  	[hbm4b:s1+s3] =	stream.linear.scatter [tilespmem:s29], [sflag:$0x1], $0x80, $0x38;
	[tilespmem:$0x1BA00] =	vst v63  }
0x76: {  	s0 =	spop (v2sf)  }
0x77: {  	s1 =	sshrl.u32 s0, $0x3  }
0x78: {  	s1 =	smul.u32 $0x24000, s1  }
0x79: {  	s0 =	sshll.u32 s0, $0x7  }
0x7a: {  	s0 =	sand.u32 $0x380, s0;
	s1 =	sshra.s32 s1, $0x2  }
0x7b: {  	s0 =	sor.u32 s0, s1  }
0x7c: {  	s30 =	sadd.s32 s28, s13;
	s29 =	sadd.s32 $0xA00, s0  }
0x7d: {  	s31 =	simm.s32 $0x80;
	s1 =	sadd.s32 $0x0, s30;
	s0 =	sadd.s32 $0x400, s29  }
.LBB2_15:
0x7e: {  	[hbm4b:s1+s3] =	stream.linear.scatter [tilespmem:s29], [sflag:$0x1], $0x80, $0x38;
	[tilespmem:$0x1BA00] =	vst v63  }
0x7f: {  	s1 =	smov.u32 s31;
	s29 =	smov.u32 s0;
	p0 =	sne.s32 s31, $0x1180  }
.Ltmp6:
0x80: {  	s31 =	sadd.s32 $0x80, s31;
	(pc) =	sbr.rel @p0 .LBB2_15-.Ltmp6, $2  }
0x81: {  	_ =	sdelay $0x2  }
0x82: {  	s0 =	sadd.s32 $0x400, s0;
	s1 =	sadd.s32 s1, s30  }
0x83: {  	(v2sf) =	vpush v0, $0x7;
	_ =	sdelay $0xd  }
0x84: {  	[hbm4b:s1+s3] =	stream.linear.scatter [tilespmem:s29], [sflag:$0x1], $0x80, $0x38;
	[tilespmem:$0x1BA00] =	vst v63  }
0x85: {  	s0 =	spop (v2sf)  }
0x86: {  	s31 =	sshrl.u32 s0, $0x3  }
0x87: {  	s1 =	smul.u32 $0x24000, s31  }
0x88: {  	s0 =	sshll.u32 s0, $0x7  }
0x89: {  	s0 =	sand.u32 $0x380, s0;
	s1 =	sshra.s32 s1, $0x2  }
0x8a: {  	s0 =	sor.u32 s0, s1  }
0x8b: {  	s28 =	sadd.s32 s28, s14;
	s29 =	sadd.s32 $0xA00, s0  }
0x8c: {  	s30 =	simm.s32 $0x80;
	s1 =	sadd.s32 $0x0, s28;
	s0 =	sadd.s32 $0x400, s29  }
.LBB2_17:
0x8d: {  	[hbm4b:s1+s3] =	stream.linear.scatter [tilespmem:s29], [sflag:$0x1], $0x80, $0x38;
	[tilespmem:$0x1BA00] =	vst v63  }
0x8e: {  	s1 =	smov.u32 s30;
	s29 =	smov.u32 s0;
	p0 =	sne.s32 s30, $0x1180  }
.Ltmp7:
0x8f: {  	s30 =	sadd.s32 $0x80, s30;
	(pc) =	sbr.rel @p0 .LBB2_17-.Ltmp7, $2  }
0x90: {  	_ =	sdelay $0x2  }
0x91: {  	s0 =	sadd.s32 $0x400, s0;
	s1 =	sadd.s32 s1, s28  }
0x92: {  	(v2sf) =	vpush v0, $0x8;
	_ =	sdelay $0xd  }
0x93: {  	[hbm4b:s1+s3] =	stream.linear.scatter [tilespmem:s29], [sflag:$0x1], $0x80, $0x38;
	[tilespmem:$0x1BA00] =	vst v63  }
0x94: {  	s0 =	spop (v2sf)  }
0x95: {  	s31 =	sshrl.u32 s0, $0x3  }
0x96: {  	s1 =	smul.u32 $0x24000, s31  }
0x97: {  	s0 =	sshll.u32 s0, $0x7  }
0x98: {  	s26 =	sadd.s32 s26, s15;
	s0 =	sand.u32 $0x380, s0;
	s1 =	sshra.s32 s1, $0x2  }
0x99: {  	s26 =	sshrl.u32 s26, $0x3;
	s0 =	sor.u32 s0, s1  }
0x9a: {  	s29 =	sadd.s32 s2, s26;
	s28 =	sadd.s32 $0xA00, s0  }
0x9b: {  	s30 =	simm.s32 $0x80;
	s1 =	sadd.s32 $0x0, s29;
	s0 =	sadd.s32 $0x400, s28  }
.LBB2_19:
0x9c: {  	[hbm4b:s1+s3] =	stream.linear.scatter [tilespmem:s28], [sflag:$0x1], $0x80, $0x38;
	[tilespmem:$0x1BA00] =	vst v63  }
0x9d: {  	s1 =	smov.u32 s30;
	s28 =	smov.u32 s0;
	p0 =	sne.s32 s30, $0x1180  }
.Ltmp8:
0x9e: {  	s30 =	sadd.s32 $0x80, s30;
	(pc) =	sbr.rel @p0 .LBB2_19-.Ltmp8, $2  }
0x9f: {  	_ =	sdelay $0x2  }
0xa0: {  	s0 =	sadd.s32 $0x400, s0;
	s1 =	sadd.s32 s1, s29  }
0xa1: {  	(v2sf) =	vpush v0, $0x9;
	_ =	sdelay $0xd  }
0xa2: {  	[hbm4b:s1+s3] =	stream.linear.scatter [tilespmem:s28], [sflag:$0x1], $0x80, $0x38;
	[tilespmem:$0x1BA00] =	vst v63  }
0xa3: {  	s0 =	spop (v2sf)  }
0xa4: {  	s31 =	sshrl.u32 s0, $0x3  }
0xa5: {  	s1 =	smul.u32 $0x24000, s31  }
0xa6: {  	s0 =	sshll.u32 s0, $0x7  }
0xa7: {  	s0 =	sand.u32 $0x380, s0;
	s1 =	sshra.s32 s1, $0x2  }
0xa8: {  	s0 =	sor.u32 s0, s1  }
0xa9: {  	s29 =	sadd.s32 s26, s8;
	s28 =	sadd.s32 $0xA00, s0  }
0xaa: {  	s30 =	simm.s32 $0x80;
	s1 =	sadd.s32 $0x0, s29;
	s0 =	sadd.s32 $0x400, s28  }
.LBB2_21:
0xab: {  	[hbm4b:s1+s3] =	stream.linear.scatter [tilespmem:s28], [sflag:$0x1], $0x80, $0x38;
	[tilespmem:$0x1BA00] =	vst v63  }
0xac: {  	s1 =	smov.u32 s30;
	s28 =	smov.u32 s0;
	p0 =	sne.s32 s30, $0x1180  }
.Ltmp9:
0xad: {  	s30 =	sadd.s32 $0x80, s30;
	(pc) =	sbr.rel @p0 .LBB2_21-.Ltmp9, $2  }
0xae: {  	_ =	sdelay $0x2  }
0xaf: {  	s0 =	sadd.s32 $0x400, s0;
	s1 =	sadd.s32 s1, s29  }
0xb0: {  	(v2sf) =	vpush v0, $0xA;
	_ =	sdelay $0xd  }
0xb1: {  	[hbm4b:s1+s3] =	stream.linear.scatter [tilespmem:s28], [sflag:$0x1], $0x80, $0x38;
	[tilespmem:$0x1BA00] =	vst v63  }
0xb2: {  	s0 =	spop (v2sf)  }
0xb3: {  	s31 =	sshrl.u32 s0, $0x3  }
0xb4: {  	s1 =	smul.u32 $0x24000, s31  }
0xb5: {  	s0 =	sshll.u32 s0, $0x7  }
0xb6: {  	s0 =	sand.u32 $0x380, s0;
	s1 =	sshra.s32 s1, $0x2  }
0xb7: {  	s0 =	sor.u32 s0, s1  }
0xb8: {  	s29 =	sadd.s32 s26, s9;
	s28 =	sadd.s32 $0xA00, s0  }
0xb9: {  	s30 =	simm.s32 $0x80;
	s1 =	sadd.s32 $0x0, s29;
	s0 =	sadd.s32 $0x400, s28  }
.LBB2_23:
0xba: {  	[hbm4b:s1+s3] =	stream.linear.scatter [tilespmem:s28], [sflag:$0x1], $0x80, $0x38;
	[tilespmem:$0x1BA00] =	vst v63  }
0xbb: {  	s1 =	smov.u32 s30;
	s28 =	smov.u32 s0;
	p0 =	sne.s32 s30, $0x1180  }
.Ltmp10:
0xbc: {  	s30 =	sadd.s32 $0x80, s30;
	(pc) =	sbr.rel @p0 .LBB2_23-.Ltmp10, $2  }
0xbd: {  	_ =	sdelay $0x2  }
0xbe: {  	s0 =	sadd.s32 $0x400, s0;
	s1 =	sadd.s32 s1, s29  }
0xbf: {  	(v2sf) =	vpush v0, $0xB;
	_ =	sdelay $0xd  }
0xc0: {  	[hbm4b:s1+s3] =	stream.linear.scatter [tilespmem:s28], [sflag:$0x1], $0x80, $0x38;
	[tilespmem:$0x1BA00] =	vst v63  }
0xc1: {  	s0 =	spop (v2sf)  }
0xc2: {  	s31 =	sshrl.u32 s0, $0x3  }
0xc3: {  	s1 =	smul.u32 $0x24000, s31  }
0xc4: {  	s0 =	sshll.u32 s0, $0x7  }
0xc5: {  	s0 =	sand.u32 $0x380, s0;
	s1 =	sshra.s32 s1, $0x2  }
0xc6: {  	s0 =	sor.u32 s0, s1  }
0xc7: {  	s29 =	sadd.s32 s26, s10;
	s28 =	sadd.s32 $0xA00, s0  }
0xc8: {  	s30 =	simm.s32 $0x80;
	s1 =	sadd.s32 $0x0, s29;
	s0 =	sadd.s32 $0x400, s28  }
.LBB2_25:
0xc9: {  	[hbm4b:s1+s3] =	stream.linear.scatter [tilespmem:s28], [sflag:$0x1], $0x80, $0x38;
	[tilespmem:$0x1BA00] =	vst v63  }
0xca: {  	s1 =	smov.u32 s30;
	s28 =	smov.u32 s0;
	p0 =	sne.s32 s30, $0x1180  }
.Ltmp11:
0xcb: {  	s30 =	sadd.s32 $0x80, s30;
	(pc) =	sbr.rel @p0 .LBB2_25-.Ltmp11, $2  }
0xcc: {  	_ =	sdelay $0x2  }
0xcd: {  	s0 =	sadd.s32 $0x400, s0;
	s1 =	sadd.s32 s1, s29  }
0xce: {  	(v2sf) =	vpush v0, $0xC;
	_ =	sdelay $0xd  }
0xcf: {  	[hbm4b:s1+s3] =	stream.linear.scatter [tilespmem:s28], [sflag:$0x1], $0x80, $0x38;
	[tilespmem:$0x1BA00] =	vst v63  }
0xd0: {  	s0 =	spop (v2sf)  }
0xd1: {  	s31 =	sshrl.u32 s0, $0x3  }
0xd2: {  	s1 =	smul.u32 $0x24000, s31  }
0xd3: {  	s0 =	sshll.u32 s0, $0x7  }
0xd4: {  	s0 =	sand.u32 $0x380, s0;
	s1 =	sshra.s32 s1, $0x2  }
0xd5: {  	s0 =	sor.u32 s0, s1  }
0xd6: {  	s29 =	sadd.s32 s26, s11;
	s28 =	sadd.s32 $0xA00, s0  }
0xd7: {  	s30 =	simm.s32 $0x80;
	s1 =	sadd.s32 $0x0, s29;
	s0 =	sadd.s32 $0x400, s28  }
.LBB2_27:
0xd8: {  	[hbm4b:s1+s3] =	stream.linear.scatter [tilespmem:s28], [sflag:$0x1], $0x80, $0x38;
	[tilespmem:$0x1BA00] =	vst v63  }
0xd9: {  	s1 =	smov.u32 s30;
	s28 =	smov.u32 s0;
	p0 =	sne.s32 s30, $0x1180  }
.Ltmp12:
0xda: {  	s30 =	sadd.s32 $0x80, s30;
	(pc) =	sbr.rel @p0 .LBB2_27-.Ltmp12, $2  }
0xdb: {  	_ =	sdelay $0x2  }
0xdc: {  	s0 =	sadd.s32 $0x400, s0;
	s1 =	sadd.s32 s1, s29  }
0xdd: {  	(v2sf) =	vpush v0, $0xD;
	_ =	sdelay $0xd  }
0xde: {  	[hbm4b:s1+s3] =	stream.linear.scatter [tilespmem:s28], [sflag:$0x1], $0x80, $0x38;
	[tilespmem:$0x1BA00] =	vst v63  }
0xdf: {  	s0 =	spop (v2sf)  }
0xe0: {  	s31 =	sshrl.u32 s0, $0x3  }
0xe1: {  	s1 =	smul.u32 $0x24000, s31  }
0xe2: {  	s0 =	sshll.u32 s0, $0x7  }
0xe3: {  	s0 =	sand.u32 $0x380, s0;
	s1 =	sshra.s32 s1, $0x2  }
0xe4: {  	s0 =	sor.u32 s0, s1  }
0xe5: {  	s29 =	sadd.s32 s26, s12;
	s28 =	sadd.s32 $0xA00, s0  }
0xe6: {  	s30 =	simm.s32 $0x80;
	s1 =	sadd.s32 $0x0, s29;
	s0 =	sadd.s32 $0x400, s28  }
.LBB2_29:
0xe7: {  	[hbm4b:s1+s3] =	stream.linear.scatter [tilespmem:s28], [sflag:$0x1], $0x80, $0x38;
	[tilespmem:$0x1BA00] =	vst v63  }
0xe8: {  	s1 =	smov.u32 s30;
	s28 =	smov.u32 s0;
	p0 =	sne.s32 s30, $0x1180  }
.Ltmp13:
0xe9: {  	s30 =	sadd.s32 $0x80, s30;
	(pc) =	sbr.rel @p0 .LBB2_29-.Ltmp13, $2  }
0xea: {  	_ =	sdelay $0x2  }
0xeb: {  	s0 =	sadd.s32 $0x400, s0;
	s1 =	sadd.s32 s1, s29  }
0xec: {  	(v2sf) =	vpush v0, $0xE;
	_ =	sdelay $0xd  }
0xed: {  	[hbm4b:s1+s3] =	stream.linear.scatter [tilespmem:s28], [sflag:$0x1], $0x80, $0x38;
	[tilespmem:$0x1BA00] =	vst v63  }
0xee: {  	s0 =	spop (v2sf)  }
0xef: {  	s31 =	sshrl.u32 s0, $0x3  }
0xf0: {  	s1 =	smul.u32 $0x24000, s31  }
0xf1: {  	s0 =	sshll.u32 s0, $0x7  }
0xf2: {  	s0 =	sand.u32 $0x380, s0;
	s1 =	sshra.s32 s1, $0x2  }
0xf3: {  	s0 =	sor.u32 s0, s1  }
0xf4: {  	s29 =	sadd.s32 s26, s13;
	s28 =	sadd.s32 $0xA00, s0  }
0xf5: {  	s30 =	simm.s32 $0x80;
	s1 =	sadd.s32 $0x0, s29;
	s0 =	sadd.s32 $0x400, s28  }
.LBB2_31:
0xf6: {  	[hbm4b:s1+s3] =	stream.linear.scatter [tilespmem:s28], [sflag:$0x1], $0x80, $0x38;
	[tilespmem:$0x1BA00] =	vst v63  }
0xf7: {  	s1 =	smov.u32 s30;
	s28 =	smov.u32 s0;
	p0 =	sne.s32 s30, $0x1180  }
.Ltmp14:
0xf8: {  	s30 =	sadd.s32 $0x80, s30;
	(pc) =	sbr.rel @p0 .LBB2_31-.Ltmp14, $2  }
0xf9: {  	_ =	sdelay $0x2  }
0xfa: {  	s0 =	sadd.s32 $0x400, s0;
	s1 =	sadd.s32 s1, s29  }
0xfb: {  	(v2sf) =	vpush v0, $0xF;
	_ =	sdelay $0xd  }
0xfc: {  	[hbm4b:s1+s3] =	stream.linear.scatter [tilespmem:s28], [sflag:$0x1], $0x80, $0x38;
	[tilespmem:$0x1BA00] =	vst v63  }
0xfd: {  	s0 =	spop (v2sf)  }
0xfe: {  	s31 =	sshrl.u32 s0, $0x3  }
0xff: {  	s1 =	smul.u32 $0x24000, s31  }
0x100: {  	s0 =	sshll.u32 s0, $0x7  }
0x101: {  	s0 =	sand.u32 $0x380, s0;
	s1 =	sshra.s32 s1, $0x2  }
0x102: {  	s0 =	sor.u32 s0, s1  }
0x103: {  	s26 =	sadd.s32 s26, s14;
	s28 =	sadd.s32 $0xA00, s0  }
0x104: {  	s29 =	simm.s32 $0x80;
	s1 =	sadd.s32 $0x0, s26;
	s0 =	sadd.s32 $0x400, s28  }
.LBB2_33:
0x105: {  	[hbm4b:s1+s3] =	stream.linear.scatter [tilespmem:s28], [sflag:$0x1], $0x80, $0x38;
	[tilespmem:$0x1BA00] =	vst v63  }
0x106: {  	s1 =	smov.u32 s29;
	s28 =	smov.u32 s0;
	p0 =	sne.s32 s29, $0x1180  }
.Ltmp15:
0x107: {  	s29 =	sadd.s32 $0x80, s29;
	(pc) =	sbr.rel @p0 .LBB2_33-.Ltmp15, $2  }
0x108: {  	_ =	sdelay $0x2  }
0x109: {  	s0 =	sadd.s32 $0x400, s0;
	s1 =	sadd.s32 s1, s26  }
0x10a: {  	s25 =	sadd.s32 $0x1, s25  }
0x10b: {  	p0 =	sne.s32 s25, $0xA0  }
.Ltmp16:
0x10c: {  	_ = 	snop;
	(pc) =	sbr.rel @p0 .LBB2_2-.Ltmp16, $2  }
0x10d: {  	_ =	sdelay $0x2  }
0x10e: {  	[hbm4b:s1+s3] =	stream.linear.scatter [tilespmem:s28], [sflag:$0x1], $0x80, $0x38;
	[tilespmem:$0x1BA00] =	vst v63  }
0x10f: {  	_ =	swait.ge [sflag:s23], $0x1200  }
0x110: {  	s0 =	simm.s32 $0x9FF;
	[sflag:s23] =	ssyncset.done $0x0  }
.LBB2_36:
0x111: {  	p0 =	sne.s32 s0, $0x1;
	s0 =	sadd.s32 $0xFFFFFFFF, s0;
	[sflag:s23] =	ssyncadd.s32 $0xFFFFEE00  }
.Ltmp17:
0x112: {  	(pc) =	sbr.rel @p0 .LBB2_36-.Ltmp17, $3  }
0x113: {  	_ =	sdelay $0x1  }
0x114: {  	_ =	swait.ge [sflag:s23], $0x1200  }
0x115: {  	[sflag:s23] =	ssyncset.done $0x0  }
0x116: {  	s24 =	sadd.s32 $0x1, s24  }
0x117: {  	p0 =	sne.s32 s24, s16  }
.Ltmp18:
0x118: {  	_ = 	snop;
	(pc) =	sbr.rel @p0 .LBB2_1-.Ltmp18, $2  }
0x119: {  	_ =	sdelay $0x2  }
0x11a: {  	[sflag:s23] =	ssyncadd.s32 $0xFFFFEE00  }
0x11b: {  	_ =	sfence.sel $0x180000  }
0x11c: {  	[bflag:$0x0] =	sbarrier.arrive $0xFFFF  }
0x11d: {  	_ =	strace $0x90000047  }
0x11e: {  	s0 =	stileid.u32;
	[bflag:$0x2] =	sbarrier.arrive $0xFFFF  }
0x11f: {  	p0 =	sne.s32 s0, $0x0;
	s0 =	rddreg [dreg:$0x3]  }
0x120: {  	s0 =	sadd.s32 @!p0 $0x100000, s0  }
0x121: {  	[sflag:s0] =	ssyncadd.tile.s32 @!p0 $0x1;
	_ =	shalt  }
.Lfunc_end2:
_tile_overlayer_lowered:
.L_overlay_start_2:
0x122: {  	(tag) =	ssettag $0x2  }
0x123: {  	s0 =	rddreg [dreg:$0x0];
	s2 =	stileid.u32  }
0x124: {  	s1 =	rddreg [dreg:$0x1];
	p0 =	sne.s32 s2, $0x0  }
0x125: {  	s3 =	rddreg [dreg:$0x2];
	[bflag:$0x3] =	sbarrier.arrive $0xFFFF;
	s2 =	simm.s32 @!p0 $0x1C02  }
0x126: {  	[timem:s3], [sflag:s2] =	dma.local @!p0 [hbm:s0], s1  }
0x127: {  	s0 =	simm.s32 @!p0 $0x2  }
0x128: {  	_ =	swait.ge @!p0 [sflag:s0], s1  }
0x129: {  	s1 =	ssub.s32 @!p0 $0x0, s1;
	[sflag:s0] =	ssyncset.done @!p0 $0x0  }
0x12a: {  	[sflag:s0] =	ssyncadd.s32 @!p0 s1  }
0x12b: {  	[bflag:$0x3] =	sbarrier.arrive $0xFFFF  }
0x12c: {  	_ =	shalt  }

// kernel: sparse-core-data-format-call.cloned.1.call-start
scs
called_computation_lowered:
.L_overlay_start_0:
0x0: {  	s2 =	sld [smem:$0x3FD9]  }
0x1: {  	s3 =	sld [smem:$0x3FFE];
	_ =	sdelay $0x1  }
0x2: {  	s1 =	srdreg.scid  }
0x3: {  	s0 =	sand.u32 $0x1, s1  }
0x4: {  	s18 =	sshll.u32 s0, $0xA;
	s2 =	sadd.s32 s3, s2  }
0x5: {  	s2 =	sadd.s32 s2, s18  }
0x6: {  	[smem:$0x3FC6] =	sst s2  }
0x7: {  	_ = 	snop  }
0x8: {  	s2 =	sld [smem:$0x3FD0];
	(tm) =	ssettm $0x1  }
0x9: {  	s19 =	sld [smem:$0x3FFB];
	_ =	sdelay $0x3  }
0xa: {  	_ =	strace s19  }
0xb: {  	s3 =	sld [smem:$0x3FFC];
	_ =	sdelay $0x3  }
0xc: {  	_ =	strace s3  }
0xd: {  	s3 =	sld [smem:$0x3FFD];
	_ =	sdelay $0x3  }
0xe: {  	_ =	strace s3  }
0xf: {  	_ =	strace $0x8FFFFFFF  }
0x10: {  	s20 =	sld [smem:$0x3FDB];
	_ =	sdelay $0x1  }
0x11: {  	s4 =	simm.s32 $_scs_section_size  }
0x12: {  	s5 =	simm.s32 $_size__tile_overlayer_lowered;
	s6 =	simm.s32 $_tile_overlayer_lowered  }
0x13: {  	s23 =	simm.s32 $0x1BFF;
	s22 =	sshll.u32 s6, $0x1;
	s3 =	sadd.s32 s4, s20  }
0x14: {  	s7 =	simm.s32 $0x0;
	s21 =	sshll.u32 s5, $0x1;
	s5 =	sadd.s32 s22, s3  }
0x15: {  	[timem:s7], [sflag:s23] =	dma.local [hbm:s5], s21  }
0x16: {  	_ =	swait.ge [sflag:s23], s21  }
0x17: {  	s4 =	ssub.s32 $0x0, s21;
	[sflag:s23] =	ssyncset.done $0x0  }
0x18: {  	[sflag:s23] =	ssyncadd.s32 s4;
	_ =	sdelay $0x1  }
0x19: {  	s24 =	simm.s32 $0x1B8B  }
0x1a: {  	_ =	swait.ge [sflag:s24], $0x1  }
0x1b: {  	[sflag:s24] =	ssyncset.done $0x0  }
0x1c: {  	s26 =	simm.s32 $0x1B8E;
	s25 =	sld [smem:$0x3FFE];
	[sflag:s24] =	ssyncadd.s32 $0xFFFFFFFF  }
0x1d: {  	s27 =	simm.s32 $execute0_lowered;
	[smem:$0x3FD2] =	sst s26  }
0x1e: {  	s5 =	sshll.u32 s27, $0x1;
	_ =	strace $0x80000049;
	[dreg:$0x1] =	wrdreg $0xFFFFFFFF  }
0x1f: {  	s28 =	simm.s32 $_size_execute0_lowered;
	s3 =	sadd.s32 s3, s5;
	[dreg:$0x0] =	wrdreg $0x0  }
0x20: {  	s5 =	sshll.u32 s28, $0x1;
	[dreg:$0x2] =	wrdreg s3  }
0x21: {  	[dreg:$0x3] =	wrdreg s5  }
0x22: {  	[dreg:$0x4] =	wrdreg $0xC0  }
0x23: {  	_ =	task [dreg:s7], $0x5FFFF  }
0x24: {  	[dreg:$0x1] =	wrdreg $0xFFFFFFFF  }
0x25: {  	[dreg:$0x0] =	wrdreg $0x60  }
0x26: {  	[dreg:$0x2] =	wrdreg s25  }
0x27: {  	[dreg:$0x3] =	wrdreg s2  }
0x28: {  	[dreg:$0x4] =	wrdreg $0x9  }
0x29: {  	_ =	task.clear_ibuf [dreg:s7], $0x5FFFF;
	_ =	strace $0x90000049  }
0x2a: {  	s29 =	simm.s32 $0x9;
	_ =	strace $0x8000004B  }
0x2b: {  	_ =	swait.ge [sflag:s29], $0x1  }
0x2c: {  	[sflag:s29] =	ssyncadd.s32 $0xFFFFFFFF  }
0x2d: {  	_ =	strace $0x9000004B  }
0x2e: {  	_ =	sfence  }
0x2f: {  	s30 =	sld [smem:$0x0];
	_ =	sdelay $0x2  }
0x30: {  	s31 =	sshll.u32 s1, $0xD;
	s1 =	sshrl.u32 s1, $0x2  }
0x31: {  	s3 =	sand.u32 $0x4000, s31;
	s1 =	sadd.s32 s1, s30  }
0x32: {  	s0 =	sor.u32 s3, s0;
	s1 =	sshll.u32 s1, $0x11  }
0x33: {  	s0 =	sor.u32 s1, s0  }
0x34: {  	s0 =	sadd.s32 $0x8F2B, s0  }
0x35: {  	[sflag:s0] =	ssyncadd.remote.s32 $0x1  }
0x36: {  	_ =	sfence.sel $0xFFFF  }
0x37: {  	[dreg:$0x0] =	wrdreg $0xFFFFFFFF;
	(pc) =	sbr.abs _section_cstart, $3  }
0x38: {  	[dreg:$0x1] =	wrdreg $0xFFFFFFFF  }
0x39: {  	_ =	task.clear_ibuf [dreg:s7], $0x2FFFF;
	_ =	strace $0x9FFFFFFF  }
0x3a: {  	(tm) =	ssettm $0x7FFFFFFF  }
0x3b: {  	_ =	shalt  }
tec
execute0_lowered:
.L_overlay_start_1:
0x0: {  	(tag) =	ssettag $0x1  }
0x1: {  	s0 =	stileid.u32;
	s1 =	srdreg.scid  }
0x2: {  	s2 =	sshll.u32 s0, $0x7;
	s3 =	sshll.u32 s0, $0x4;
	s4 =	sshll.u32 s1, $0x8  }
0x3: {  	s7 =	rddreg [dreg:$0x0];
	s1 =	sand.u32 $0x380, s2;
	s29 =	sor.u32 s3, s4  }
0x4: {  	s8 =	simm.s32 $0x2;
	s2 =	sand.u32 $0x180, s29;
	s30 =	ssub.s32 $0x400, s1  }
0x5: {  	s16 =	simm.s32 $0x0;
	s31 =	sand.u32 $0x380, s30;
	s5 =	ssub.s32 $0x4800, s2  }
0x6: {  	s4 =	simm.s32 $0x1;
	p0 =	sne.s32 s31, $0x0;
	s6 =	sand.u32 $0x180, s5  }
0x7: {  	s4 =	simm.s32 @!p0 $0x0;
	p0 =	sne.s32 s6, $0x0;
	s6 =	simm.s32 $0x1  }
0x8: {  	s3 =	sshrl.u32 s30, $0xA;
	s5 =	sshrl.u32 s5, $0x9;
	s6 =	simm.s32 @!p0 $0x0  }
0x9: {  	s9 =	simm.s32 $0x24000;
	s3 =	sadd.s32 s4, s3;
	s5 =	sadd.s32 s6, s5  }
0xa: {  	s10 =	simm.s32 $0x0;
	s15 =	simm.s32 $0x0;
	s6 =	smul.u32 s5, s3  }
.Ltmp0:
0xb: {  	s17 =	simm.s32 $0x0;
	s4 =	rddreg [dreg:$0x1];
	(pc) =	sbr.rel .LBB1_1-.Ltmp0, $4  }
0xc: {  	s12 =	simm.s32 $0x0;
	s14 =	simm.s32 $0x0;
	s3 =	rddreg [dreg:$0x2]  }
0xd: {  	_ =	strace $0x8000004A;
	s5 =	simm.s32 $0x1;
	s6 =	smul.u32 $0x14, s6  }
0xe: {  	s7 =	sadd.s32 $0x800, s7;
	s13 =	smov.u32 s1;
	[sflag:s5] =	ssyncpa.u1 $0x0  }
0xf: {  	s11 =	smov.u32 s2;
	[sflag:s8] =	ssyncpa.u1 $0x0;
	s8 =	sor.u32 $0x1, s6  }
.LBB1_4:
0x10: {  	_ =	sdelay $0x3  }
0x11: {  	[tilespmem:v0+s20+$0xFFFFFFD0 ss:$0x1] =	vst.idx.msk $0xffff, v7;
	s21 =	sshrl.u32 s17, $0x3  }
0x12: {  	v56 =	vld.idx.msk [tilespmem:v1+s19+$0x0 ss:$0x1], $0xffff;
	[tilespmem:v0+s20+$0xFFFFFFE0 ss:$0x1] =	vst.idx.msk $0xffff, v6;
	s22 =	sshll.u32 s16, $0x3;
	s24 =	sshll.u32 s17, $0x7;
	s21 =	smul.u32 $0x24000, s21  }
0x13: {  	v57 =	vld.idx.msk [tilespmem:v1+s19+$0xFFFFFF90 ss:$0x1], $0xffff;
	[tilespmem:v0+s20+$0xFFFFFFF0 ss:$0x1] =	vst.idx.msk $0xffff, v4;
	s25 =	sand.u32 $0x7F, s16;
	s22 =	sand.u32 $0xFFFFFC00, s22;
	s17 =	sand.u32 $0x380, s24  }
0x14: {  	v58 =	vld.idx.msk [tilespmem:v1+s19+$0xFFFFFFA0 ss:$0x1], $0xffff;
	[tilespmem:v0+s20+$0x0 ss:$0x1] =	vst.idx.msk $0xffff, v2;
	s16 =	sor.u32 s17, s25;
	s21 =	sadd.s32 s21, s22  }
0x15: {  	v59 =	vld.idx.msk [tilespmem:v1+s19+$0xFFFFFFB0 ss:$0x1], $0xffff;
	[tilespmem:v0+s20+$0x10 ss:$0x1] =	vst.idx.msk $0xffff, v3;
	s16 =	sor.u32 s21, s16  }
0x16: {  	v60 =	vld.idx.msk [tilespmem:v1+s19+$0xFFFFFFC0 ss:$0x1], $0xffff;
	[tilespmem:v0+s20+$0x20 ss:$0x1] =	vst.idx.msk $0xffff, v5;
	s26 =	smulhi.u32 $0x38E38E39, s16  }
0x17: {  	v61 =	vld.idx.msk [tilespmem:v1+s19+$0xFFFFFFD0 ss:$0x1], $0xffff;
	s27 =	smulhi.u32 $0x38E38E39, s21;
	[tilespmem:v0+s19+$0x30 ss:$0x1] =	vst.idx.msk $0xffff, v56  }
0x18: {  	v62 =	vld.idx.msk [tilespmem:v1+s19+$0xFFFFFFE0 ss:$0x1], $0xffff;
	[tilespmem:v0+s19+$0xFFFFFFC0 ss:$0x1] =	vst.idx.msk $0xffff, v57;
	s17 =	sshrl.u32 s26, $0xC  }
0x19: {  	v63 =	vld.idx.msk [tilespmem:v1+s19+$0xFFFFFFF0 ss:$0x1], $0xffff;
	[tilespmem:v0+s19+$0xFFFFFFD0 ss:$0x1] =	vst.idx.msk $0xffff, v58;
	s20 =	sshrl.u32 s27, $0xC;
	s17 =	smul.u32 $0x4800, s17  }
0x1a: {  	s15 =	smul.u32 $0x240000, s15;
	[tilespmem:v0+s19+$0xFFFFFFE0 ss:$0x1] =	vst.idx.msk $0xffff, v59;
	s20 =	sand.u32 $0x3FF, s20  }
0x1b: {  	[tilespmem:v0+s19+$0xFFFFFFF0 ss:$0x1] =	vst.idx.msk $0xffff, v60;
	s28 =	smul.u32 $0x900, s20;
	s16 =	ssub.s32 s16, s17  }
0x1c: {  	s15 =	sadd.s32 s4, s15;
	[tilespmem:v0+s19+$0x0 ss:$0x1] =	vst.idx.msk $0xffff, v61;
	s29 =	sand.u32 $0x7, s16  }
0x1d: {  	[tilespmem:v0+s19+$0x10 ss:$0x1] =	vst.idx.msk $0xffff, v62;
	s15 =	sadd.s32 s28, s15;
	s16 =	sshrl.u32 s16, $0x3;
	s30 =	sshll.u32 s29, $0x12  }
0x1e: {  	[tilespmem:v0+s19+$0x20 ss:$0x1] =	vst.idx.msk $0xffff, v63;
	s15 =	sadd.s32 s16, s15;
	s31 =	sor.u32 $0x400, s30  }
0x1f: {  	[hbm4b:s15+s31] =	stream.strided.scatter [tilespmem:s18], [sflag:$0x2], $0x4000, s9, s31, $0x38;
	[tilespmem:$0x10000] =	vst v63  }
.LBB1_5:
0x20: {  	s18 =	sadd.s32 $0x200, s11  }
0x21: {  	s15 =	simm.s32 $0x1;
	p1 =	sgt.s32 s18, $0x47FF  }
0x22: {  	s15 =	simm.s32 @!p1 $0x0  }
0x23: {  	s19 =	sadd.s32 s15, s12  }
0x24: {  	s21 =	smov.u32 s13;
	s15 =	sadd.s32 $0x400, s13;
	p2 =	sgt.s32 s19, $0x13  }
0x25: {  	s21 =	smov.u32 @p2 s15  }
0x26: {  	s18 =	smov.u32 @p1 s2;
	p1 =	sgt.s32 s21, $0x3FF  }
0x27: {  	p0 =	slt.u32 s14, $0x2;
	s21 =	smov.u32 @p1 s1;
	p1 =	sne.s32 s14, s8  }
.Ltmp1:
0x28: {  	s20 =	simm.s32 @!p0 $0x2;
	(pc) =	sbr.rel @!p1 .LBB1_6-.Ltmp1, $4  }
0x29: {  	s16 =	smov.u32 s11;
	s17 =	smov.u32 s13;
	_ =	swait.ge @!p0 [sflag:s20], $0x4000  }
0x2a: {  	s10 =	sadd.s32 $0x4000, s10;
	[sflag:s20] =	ssyncset.done @!p0 $0x0;
	s11 =	smov.u32 s18  }
0x2b: {  	[sflag:s20] =	ssyncadd.s32 @!p0 $0xFFFFC000;
	s19 =	simm.s32 @p2 $0x0;
	s15 =	smov.u32 s12  }
0x2c: {  	s12 =	smov.u32 s19;
	s14 =	sadd.s32 $0x1, s14;
	s13 =	smov.u32 s21  }
.LBB1_1:
0x2d: {  	p0 =	sge.u32 s14, s6  }
0x2e: {  	s18 =	sshrl.u32 @!p0 s12, $0x3  }
0x2f: {  	s19 =	sshll.u32 @!p0 s11, $0x3;
	s18 =	smul.u32 @!p0 $0x24000, s18  }
0x30: {  	s20 =	sshll.u32 @!p0 s12, $0x7;
	s19 =	sand.u32 @!p0 $0xFFFFFC00, s19  }
0x31: {  	s21 =	sand.u32 @!p0 $0x7F, s11;
	s18 =	sadd.s32 @!p0 s18, s19;
	s19 =	sand.u32 @!p0 $0x380, s20  }
0x32: {  	s19 =	sor.u32 @!p0 s21, s19;
	s20 =	smulhi.u32 @!p0 $0x38E38E39, s18  }
0x33: {  	s18 =	sor.u32 @!p0 s18, s19  }
0x34: {  	s19 =	smulhi.u32 @!p0 $0x38E38E39, s18;
	s20 =	sshrl.u32 @!p0 s20, $0xC  }
0x35: {  	s21 =	smulhi.u32 @!p0 $0xAAAAAAB, s20;
	_ =	sdelay $0x1  }
0x36: {  	s19 =	sshrl.u32 @!p0 s19, $0xC;
	s21 =	smul.u32 @!p0 $0x18, s21  }
0x37: {  	s31 =	sadd.s32 $0xFFFFFFFF, s14;
	s19 =	smul.u32 @!p0 $0x4800, s19  }
0x38: {  	s22 =	sxor.u32 @!p0 $0xFFFFFFFF, s14;
	s20 =	ssub.s32 @!p0 s20, s21;
	s21 =	smul.u32 @!p0 $0xD800, s13  }
0x39: {  	s22 =	sshll.u32 @!p0 s22, $0xE;
	s18 =	ssub.s32 @!p0 s18, s19;
	s19 =	smul.u32 @!p0 $0x900, s20  }
0x3a: {  	s20 =	sand.u32 @!p0 $0x4000, s22;
	s22 =	sand.u32 @!p0 $0x7, s18;
	s21 =	sadd.s32 @!p0 s7, s21  }
0x3b: {  	s18 =	sshrl.u32 @!p0 s18, $0x3;
	s19 =	sadd.s32 @!p0 s19, s21;
	s21 =	sshll.u32 @!p0 s22, $0x12  }
0x3c: {  	s18 =	sadd.s32 @!p0 s18, s19;
	s19 =	sor.u32 @!p0 $0x80, s21;
	s21 =	simm.s32 @!p0 $0x6C000  }
0x3d: {  	[tilespmem:s20], [sflag:$0x1] =	stream.strided.gather @!p0 [hbm4b:s18+s19], $0x4000, s21, s19, $0x38;
	[tilespmem:$0x10000] =	vst v63  }
0x3e: {  	p0 =	sge.u32 s31, s6  }
.Ltmp2:
0x3f: {  	_ = 	snop;
	(pc) =	sbr.rel @p0 .LBB1_5-.Ltmp2, $1  }
0x40: {  	_ =	sdelay $0x3  }
0x41: {  	s18 =	sand.u32 $0x4000, s10  }
0x42: {  	s19 =	sor.u32 $0x70, s18  }
0x43: {  	v1 =	vmov s19;
	_ =	sdelay $0x1  }
0x44: {  	_ =	swait.ge [sflag:s5], $0x4000  }
0x45: {  	[sflag:s5] =	ssyncset.done $0x0  }
0x46: {  	s20 =	simm.s32 $0x0;
	[sflag:s5] =	ssyncadd.s32 $0xFFFFC000  }
0x47: {  	s18 =	sor.u32 $0x8040, s18;
	v5 =	vld.idx.msk [tilespmem:v1+s20+$0x0 ss:$0x1], $0xffff  }
0x48: {  	v0 =	vmov s18;
	v8 =	vld.idx.msk [tilespmem:v1+s20+$0xFFFFFF90 ss:$0x1], $0xffff  }
0x49: {  	v7 =	vld.idx.msk [tilespmem:v1+s20+$0xFFFFFFA0 ss:$0x1], $0xffff  }
0x4a: {  	v6 =	vld.idx.msk [tilespmem:v1+s20+$0xFFFFFFB0 ss:$0x1], $0xffff  }
0x4b: {  	v4 =	vld.idx.msk [tilespmem:v1+s20+$0xFFFFFFC0 ss:$0x1], $0xffff  }
0x4c: {  	s31 =	sshll.u32 s14, $0xE;
	v2 =	vld.idx.msk [tilespmem:v1+s20+$0xFFFFFFD0 ss:$0x1], $0xffff  }
0x4d: {  	s18 =	sand.u32 $0x4000, s31;
	v3 =	vld.idx.msk [tilespmem:v1+s20+$0xFFFFFFE0 ss:$0x1], $0xffff;
	[tilespmem:v0+s20+$0x30 ss:$0x1] =	vst.idx.msk $0xffff, v5  }
0x4e: {  	s21 =	simm.s32 $0x400;
	s19 =	simm.s32 $0x80;
	s18 =	sor.u32 $0x8000, s18;
	[tilespmem:v0+s20+$0xFFFFFFC0 ss:$0x1] =	vst.idx.msk $0xffff, v8;
	v5 =	vld.idx.msk [tilespmem:v1+s20+$0xFFFFFFF0 ss:$0x1], $0xffff  }
.LBB1_3:
0x4f: {  	p0 =	sne.s32 s21, $0xFE00;
	v8 =	vld.idx.msk [tilespmem:v1+s19+$0x0 ss:$0x1], $0xffff;
	[tilespmem:v0+s20+$0xFFFFFFD0 ss:$0x1] =	vst.idx.msk $0xffff, v7  }
0x50: {  	v9 =	vld.idx.msk [tilespmem:v1+s19+$0xFFFFFF90 ss:$0x1], $0xffff;
	[tilespmem:v0+s20+$0xFFFFFFE0 ss:$0x1] =	vst.idx.msk $0xffff, v6  }
0x51: {  	v7 =	vld.idx.msk [tilespmem:v1+s19+$0xFFFFFFA0 ss:$0x1], $0xffff;
	[tilespmem:v0+s20+$0xFFFFFFF0 ss:$0x1] =	vst.idx.msk $0xffff, v4  }
.Ltmp3:
0x52: {  	v6 =	vld.idx.msk [tilespmem:v1+s19+$0xFFFFFFB0 ss:$0x1], $0xffff;
	[tilespmem:v0+s20+$0x0 ss:$0x1] =	vst.idx.msk $0xffff, v2;
	(pc) =	sbr.rel @p0 .LBB1_3-.Ltmp3, $4  }
0x53: {  	v4 =	vld.idx.msk [tilespmem:v1+s19+$0xFFFFFFC0 ss:$0x1], $0xffff;
	[tilespmem:v0+s20+$0x10 ss:$0x1] =	vst.idx.msk $0xffff, v3  }
0x54: {  	v2 =	vld.idx.msk [tilespmem:v1+s19+$0xFFFFFFD0 ss:$0x1], $0xffff;
	[tilespmem:v0+s20+$0x20 ss:$0x1] =	vst.idx.msk $0xffff, v5;
	s20 =	smov.u32 s19  }
0x55: {  	v3 =	vld.idx.msk [tilespmem:v1+s20+$0xFFFFFFE0 ss:$0x1], $0xffff;
	[tilespmem:v0+s20+$0x30 ss:$0x1] =	vst.idx.msk $0xffff, v8  }
0x56: {  	s19 =	sshra.s32 s21, $0x2;
	s21 =	sadd.s32 $0x200, s21;
	[tilespmem:v0+s20+$0xFFFFFFC0 ss:$0x1] =	vst.idx.msk $0xffff, v9;
	v5 =	vld.idx.msk [tilespmem:v1+s20+$0xFFFFFFF0 ss:$0x1], $0xffff  }
.Ltmp4:
0x57: {  	_ = 	snop;
	(pc) =	sbr.rel .LBB1_4-.Ltmp4, $1  }
0x58: {  	_ =	sdelay $0x3  }
.LBB1_6:
0x59: {  	_ =	sfence.sel $0x180000  }
0x5a: {  	s1 =	simm.s32 $0x1;
	[bflag:$0x0] =	sbarrier.arrive $0xFFFF  }
0x5b: {  	s31 =	simm.s32 $0x2;
	[sflag:s1] =	ssyncpa.u1 $0x1  }
0x5c: {  	[sflag:s31] =	ssyncpa.u1 $0x1  }
0x5d: {  	p0 =	sne.s32 s0, $0x0;
	_ =	strace $0x9000004A  }
0x5e: {  	s0 =	sadd.s32 @!p0 $0x100000, s3;
	[bflag:$0x2] =	sbarrier.arrive $0xFFFF  }
0x5f: {  	[sflag:s0] =	ssyncadd.tile.s32 @!p0 $0x1;
	_ =	shalt  }
.Lfunc_end1:
_tile_overlayer_lowered:
.L_overlay_start_2:
0x60: {  	(tag) =	ssettag $0x2  }
0x61: {  	s0 =	rddreg [dreg:$0x0];
	s2 =	stileid.u32  }
0x62: {  	s1 =	rddreg [dreg:$0x1];
	p0 =	sne.s32 s2, $0x0  }
0x63: {  	s3 =	rddreg [dreg:$0x2];
	[bflag:$0x3] =	sbarrier.arrive $0xFFFF;
	s2 =	simm.s32 @!p0 $0x1C01  }
0x64: {  	[timem:s3], [sflag:s2] =	dma.local @!p0 [hbm:s0], s1  }
0x65: {  	s0 =	simm.s32 @!p0 $0x1  }
0x66: {  	_ =	swait.ge @!p0 [sflag:s0], s1  }
0x67: {  	s1 =	ssub.s32 @!p0 $0x0, s1;
	[sflag:s0] =	ssyncset.done @!p0 $0x0  }
0x68: {  	[sflag:s0] =	ssyncadd.s32 @!p0 s1  }
0x69: {  	[bflag:$0x3] =	sbarrier.arrive $0xFFFF  }
0x6a: {  	_ =	shalt  }

</sc_bundles>
